<compile_context>
chip_gen: v7x
topology: tpu7x:2x2x1
jax: 0.10.2.dev20260603
libtpu: 0.0.44.dev20260713+nightly
codegen_flags: <defaults>
</compile_context>

<pallas_src>
import jax
import jax.numpy as jnp
from jax import lax
from jax.experimental import pallas as pl
from jax.experimental.pallas import tpu as pltpu
from jax.experimental.pallas import tpu_sc as plsc

_NUM_ITEMS = 1000000
_MB = 4096
_C = 4
_H = 200
_B = _MB * _C
_W = 128

_NC = 2
_NS = 16
_NW = _NC * _NS
_RPW = _MB // _NW
_PW = _RPW * _C
_NCH = 4
_CH = _PW // _NCH


def _sc_gather_body(idx_hbm, base_hbm, amp_hbm, out_b_hbm, out_a_hbm,
                    idx_v, idx_c, b_c, a_c, b_v, a_v, sem):
    wid = lax.axis_index("s") * _NC + lax.axis_index("c")
    r0 = wid * _RPW
    pltpu.sync_copy(idx_hbm.at[pl.ds(r0, _RPW)], idx_v)
    j16 = lax.iota(jnp.int32, 16)
    cols = j16 & (_C - 1)
    rows0 = j16 >> 2
    zeros = jnp.zeros((16,), jnp.int32)
    for k in range(_PW // 16):
        rows = rows0 + (16 // _C) * k
        v = plsc.load_gather(idx_v, [rows, cols])
        idx_c[0, pl.ds(16 * k, 16)] = v
    copies = []
    for j in range(_NCH):
        sl = pl.ds(j * _CH, _CH)
        lst = idx_c.at[:, sl]
        copies.append(pltpu.async_copy(base_hbm.at[lst], b_c.at[:, sl], sem))
        copies.append(pltpu.async_copy(amp_hbm.at[lst], a_c.at[:, sl], sem))
    for c in copies:
        c.wait()
    for k in range(_PW // 16):
        fl = j16 + 16 * k
        rows = rows0 + (16 // _C) * k
        vb = plsc.load_gather(b_c, [zeros, fl])
        va = plsc.load_gather(a_c, [zeros, fl])
        plsc.store_scatter(b_v, [rows, cols], vb)
        plsc.store_scatter(a_v, [rows, cols], va)
    pltpu.sync_copy(b_v, out_b_hbm.at[pl.ds(r0, _RPW)])
    pltpu.sync_copy(a_v, out_a_hbm.at[pl.ds(r0, _RPW)])


@jax.jit
def _sc_gather(idx, base_tab, amp_tab):
    mesh = plsc.VectorSubcoreMesh(core_axis_name="c", subcore_axis_name="s")
    f = pl.kernel(
        _sc_gather_body,
        mesh=mesh,
        compiler_params=pltpu.CompilerParams(
            needs_layout_passes=False,
            use_tc_tiling_on_sc=False,
        ),
        out_type=[
            jax.ShapeDtypeStruct((_MB, _W), jnp.float32),
            jax.ShapeDtypeStruct((_MB, _W), jnp.float32),
        ],
        scratch_types=[
            pltpu.VMEM((_RPW, _W), jnp.int32),
            pltpu.VMEM((1, _PW), jnp.int32),
            pltpu.VMEM((1, _PW), jnp.float32),
            pltpu.VMEM((1, _PW), jnp.float32),
            pltpu.VMEM((_RPW, _W), jnp.float32),
            pltpu.VMEM((_RPW, _W), jnp.float32),
            pltpu.SemaphoreType.DMA,
        ],
    )
    return f(idx, base_tab, amp_tab)


_BBLK = 512


def _tc_body(dec_ref, pos_ref, gb_ref, ga_ref, bt_ref, out_ref):
    dec = jnp.logaddexp(dec_ref[0, 0], 0.0)
    t = bt_ref[...]
    pos = pos_ref[...]
    ti = jnp.where(t < pos, jnp.exp(dec * (t - pos)), 0.0)
    a = jnp.sum(ti, axis=-1)
    base = jnp.logaddexp(gb_ref[:, : _C], 0.0)
    amp = jnp.logaddexp(ga_ref[:, : _C], 0.0)
    out_ref[...] = base + a * amp


@jax.jit
def _tc_combine(dec, pos, gb, ga, bt):
    grid = (_MB // _BBLK,)
    return pl.pallas_call(
        _tc_body,
        grid=grid,
        in_specs=[
            pl.BlockSpec(memory_space=pltpu.SMEM),
            pl.BlockSpec((_BBLK, _C, 1), lambda i: (i, 0, 0)),
            pl.BlockSpec((_BBLK, _W), lambda i: (i, 0)),
            pl.BlockSpec((_BBLK, _W), lambda i: (i, 0)),
            pl.BlockSpec((_BBLK, _C, _H), lambda i: (i, 0, 0)),
        ],
        out_specs=pl.BlockSpec((_BBLK, _C), lambda i: (i, 0)),
        out_shape=jax.ShapeDtypeStruct((_MB, _C), jnp.float32),
    )(dec, pos, gb, ga, bt)


def kernel(batch_items, pos_time, batch_time_all, base_table, amplitude_table,
           intensity_decay):
    idxp = jnp.pad(batch_items.astype(jnp.int32), ((0, 0), (0, _W - _C)))
    gb, ga = _sc_gather(idxp, jnp.swapaxes(base_table, 0, 1),
                        jnp.swapaxes(amplitude_table, 0, 1))
    return _tc_combine(
        intensity_decay.reshape(1, 1),
        pos_time,
        gb,
        ga,
        batch_time_all,
    )

# --- scband reference (transcript-rebuilt; emitter-appended) ---
"""Pipeline reference for scband-joint-rec-88527865905377 (READ-ONLY COPY).

The authoritative reference and input builder live on the scoring server;
editing this copy changes nothing except your own understanding.
"""

import jax, jax.numpy as jnp
import numpy as np

NUM_ITEMS = 1000000
MINI_BATCH = 4096
C = 4
H = 200


def softplus(x):
    # numerically stable softplus, matches torch.nn.Softplus default (beta=1)
    return jnp.logaddexp(x, 0.0)


def setup_inputs(seed: int = 0) -> dict:
    key = jax.random.key(seed)
    k1, k2, k3, k4, k5, k6 = jax.random.split(key, 6)
    batch_items = jax.random.randint(k1, (MINI_BATCH, C), 0, NUM_ITEMS)
    pos_time = jax.random.uniform(k2, (MINI_BATCH, C, 1), dtype=jnp.float32)
    batch_time_all = jax.random.uniform(k3, (MINI_BATCH, C, H), dtype=jnp.float32)
    # learned parameters
    base_table = jax.random.normal(k4, (NUM_ITEMS, 1), dtype=jnp.float32)
    amplitude_table = jax.random.normal(k5, (NUM_ITEMS, 1), dtype=jnp.float32)
    intensity_decay = jax.random.normal(k6, (1,), dtype=jnp.float32)
    return {
        "batch_items": batch_items,
        "pos_time": pos_time,
        "batch_time_all": batch_time_all,
        "base_table": base_table,
        "amplitude_table": amplitude_table,
        "intensity_decay": intensity_decay,
    }


def reference(batch_items, pos_time, batch_time_all, base_table, amplitude_table, intensity_decay):
    # embedding lookups (SparseCore gather)
    base = softplus(jnp.take(base_table, batch_items, axis=0)).reshape(MINI_BATCH, -1)
    amplitude = softplus(jnp.take(amplitude_table, batch_items, axis=0)).reshape(MINI_BATCH, -1)
    # temporal Hawkes-style intensity
    batch_time_mask = (batch_time_all < pos_time).astype(jnp.float32)
    batch_time_delta = pos_time - batch_time_all
    dec = softplus(intensity_decay)
    time_intensity = jnp.exp(-dec * batch_time_delta * batch_time_mask) * batch_time_mask
    return base + time_intensity.sum(-1) * amplitude

if __name__ == "__main__":
    import jax
    _d = setup_inputs()
    print(jax.jit(kernel)(*tuple(_d.values())))

</pallas_src>

<mosaic_0001>
#map = affine_map<(d0, d1) -> (0, 0)>
module attributes {stable_mosaic.version = 14 : i64} {
  func.func @_sc_gather_body(%arg0: i32, %arg1: i32, %arg2: memref<4096x128xi32, #tpu.memory_space<hbm>>, %arg3: memref<1x1000000xf32, #tpu.memory_space<hbm>>, %arg4: memref<1x1000000xf32, #tpu.memory_space<hbm>>, %arg5: memref<4096x128xf32, #tpu.memory_space<hbm>>, %arg6: memref<4096x128xf32, #tpu.memory_space<hbm>>, %arg7: memref<128x128xi32, #tpu.memory_space<vmem>>, %arg8: memref<1x512xi32, #tpu.memory_space<vmem>>, %arg9: memref<1x512xf32, #tpu.memory_space<vmem>>, %arg10: memref<1x512xf32, #tpu.memory_space<vmem>>, %arg11: memref<128x128xf32, #tpu.memory_space<vmem>>, %arg12: memref<128x128xf32, #tpu.memory_space<vmem>>, %arg13: memref<!tpu.dma_semaphore, #tpu.memory_space<semaphore_mem>>) attributes {dimension_semantics = [#tpu.dimension_semantics<core_parallel>, #tpu.dimension_semantics<subcore_parallel>], iteration_bounds = array<i64: 2, 16>, scalar_prefetch = 0 : i64, scratch_operands = 7 : i64, tpu.core_type = #tpu.core_type<sc_vector_subcore>, window_params = [{transform_indices = #map}, {transform_indices = #map}, {transform_indices = #map}, {transform_indices = #map}, {transform_indices = #map}]} {
    %mul3A = arith.constant 2 : i32
    %mul3A_0 = arith.muli %arg1, %mul3A : i32
    %add3A = arith.addi %mul3A_0, %arg0 : i32
    %mul3A_1 = arith.constant 128 : i32
    %mul3A_2 = arith.muli %add3A, %mul3A_1 : i32
    "tpu.region"() ({
      %run_scoped3A = tpu.sem_alloc : memref<!tpu.dma_semaphore, #tpu.memory_space<semaphore_mem>>
      %dma_start3A_660 = arith.constant 0 : i32
      %dma_start3A_661 = tpu.memref_slice %arg2[%mul3A_2, %dma_start3A_660] : memref<4096x128xi32, #tpu.memory_space<hbm>> -> memref<128x128xi32, #tpu.memory_space<hbm>>
      %dma_start3A_662 = arith.constant 0 : i32
      %dma_start3A_663 = tpu.memref_slice %arg2[%mul3A_2, %dma_start3A_662] : memref<4096x128xi32, #tpu.memory_space<hbm>> -> memref<128x128xi32, #tpu.memory_space<hbm>>
      tpu.enqueue_dma source(%dma_start3A_663 : memref<128x128xi32, #tpu.memory_space<hbm>>) target(%arg7 : memref<128x128xi32, #tpu.memory_space<vmem>>) target_semaphore(%run_scoped3A : memref<!tpu.dma_semaphore, #tpu.memory_space<semaphore_mem>>)
      %dma_wait3A_664 = arith.constant 0 : i32
      %dma_wait3A_665 = tpu.memref_slice %arg2[%mul3A_2, %dma_wait3A_664] : memref<4096x128xi32, #tpu.memory_space<hbm>> -> memref<128x128xi32, #tpu.memory_space<hbm>>
      %dma_wait3A_666 = arith.constant 0 : i32
      %dma_wait3A_667 = tpu.memref_slice %arg2[%mul3A_2, %dma_wait3A_666] : memref<4096x128xi32, #tpu.memory_space<hbm>> -> memref<128x128xi32, #tpu.memory_space<hbm>>
      tpu.wait_dma2 semaphore(%run_scoped3A : memref<!tpu.dma_semaphore, #tpu.memory_space<semaphore_mem>>) src(%dma_wait3A_667 : memref<128x128xi32, #tpu.memory_space<hbm>>) dst(%arg7 : memref<128x128xi32, #tpu.memory_space<vmem>>)
      tpu.yield
    }) : () -> ()
    %iota3A = tpu.iota {dimensions = array<i32: 0>} : vector<16xi32>
    %and3A = arith.constant 3 : i32
    %and3A_3 = vector.broadcast %and3A : i32 to vector<16xi32>
    %and3A_4 = arith.andi %iota3A, %and3A_3 : vector<16xi32>
    %shift_right_arithmetic3A = arith.constant 2 : i32
    %shift_right_arithmetic3A_5 = vector.broadcast %shift_right_arithmetic3A : i32 to vector<16xi32>
    %shift_right_arithmetic3A_6 = arith.shrsi %iota3A, %shift_right_arithmetic3A_5 : vector<16xi32>
    %broadcast_in_dim3A = arith.constant 0 : i32
    %broadcast_in_dim3A_7 = vector.broadcast %broadcast_in_dim3A : i32 to vector<16xi32>
    %add3A_8 = arith.constant 0 : i32
    %add3A_9 = vector.broadcast %add3A_8 : i32 to vector<16xi32>
    %add3A_10 = arith.addi %shift_right_arithmetic3A_6, %add3A_9 : vector<16xi32>
    %gather3A = tpu.vector_load_idx %arg7[%add3A_10, %and3A_4] : memref<128x128xi32, #tpu.memory_space<vmem>>[vector<16xi32>, vector<16xi32>], vector<16xi32>,
    %swap3A = arith.constant 0 : i32
    %swap3A_11 = arith.index_cast %swap3A : i32 to index
    %swap3A_12 = arith.constant 0 : index
    %swap3A_13 = tpu.vector_load %arg8[%swap3A_11, %swap3A_12] {strides = array<i32>} : memref<1x512xi32, #tpu.memory_space<vmem>>, vector<16xi32>,
    tpu.vector_store %arg8[%swap3A_11, %swap3A_12], %gather3A {strides = array<i32>} : memref<1x512xi32, #tpu.memory_space<vmem>>, vector<16xi32>,
    %add3A_14 = arith.constant 4 : i32
    %add3A_15 = vector.broadcast %add3A_14 : i32 to vector<16xi32>
    %add3A_16 = arith.addi %shift_right_arithmetic3A_6, %add3A_15 : vector<16xi32>
    %gather3A_17 = tpu.vector_load_idx %arg7[%add3A_16, %and3A_4] : memref<128x128xi32, #tpu.memory_space<vmem>>[vector<16xi32>, vector<16xi32>], vector<16xi32>,
    %swap3A_18 = arith.constant 0 : i32
    %swap3A_19 = arith.index_cast %swap3A_18 : i32 to index
    %swap3A_20 = arith.constant 16 : index
    %swap3A_21 = tpu.vector_load %arg8[%swap3A_19, %swap3A_20] {strides = array<i32>} : memref<1x512xi32, #tpu.memory_space<vmem>>, vector<16xi32>,
    tpu.vector_store %arg8[%swap3A_19, %swap3A_20], %gather3A_17 {strides = array<i32>} : memref<1x512xi32, #tpu.memory_space<vmem>>, vector<16xi32>,
    %add3A_22 = arith.constant 8 : i32
    %add3A_23 = vector.broadcast %add3A_22 : i32 to vector<16xi32>
    %add3A_24 = arith.addi %shift_right_arithmetic3A_6, %add3A_23 : vector<16xi32>
    %gather3A_25 = tpu.vector_load_idx %arg7[%add3A_24, %and3A_4] : memref<128x128xi32, #tpu.memory_space<vmem>>[vector<16xi32>, vector<16xi32>], vector<16xi32>,
    %swap3A_26 = arith.constant 0 : i32
    %swap3A_27 = arith.index_cast %swap3A_26 : i32 to index
    %swap3A_28 = arith.constant 32 : index
    %swap3A_29 = tpu.vector_load %arg8[%swap3A_27, %swap3A_28] {strides = array<i32>} : memref<1x512xi32, #tpu.memory_space<vmem>>, vector<16xi32>,
    tpu.vector_store %arg8[%swap3A_27, %swap3A_28], %gather3A_25 {strides = array<i32>} : memref<1x512xi32, #tpu.memory_space<vmem>>, vector<16xi32>,
    %add3A_30 = arith.constant 12 : i32
    %add3A_31 = vector.broadcast %add3A_30 : i32 to vector<16xi32>
    %add3A_32 = arith.addi %shift_right_arithmetic3A_6, %add3A_31 : vector<16xi32>
    %gather3A_33 = tpu.vector_load_idx %arg7[%add3A_32, %and3A_4] : memref<128x128xi32, #tpu.memory_space<vmem>>[vector<16xi32>, vector<16xi32>], vector<16xi32>,
    %swap3A_34 = arith.constant 0 : i32
    %swap3A_35 = arith.index_cast %swap3A_34 : i32 to index
    %swap3A_36 = arith.constant 48 : index
    %swap3A_37 = tpu.vector_load %arg8[%swap3A_35, %swap3A_36] {strides = array<i32>} : memref<1x512xi32, #tpu.memory_space<vmem>>, vector<16xi32>,
    tpu.vector_store %arg8[%swap3A_35, %swap3A_36], %gather3A_33 {strides = array<i32>} : memref<1x512xi32, #tpu.memory_space<vmem>>, vector<16xi32>,
    %add3A_38 = arith.constant 16 : i32
    %add3A_39 = vector.broadcast %add3A_38 : i32 to vector<16xi32>
    %add3A_40 = arith.addi %shift_right_arithmetic3A_6, %add3A_39 : vector<16xi32>
    %gather3A_41 = tpu.vector_load_idx %arg7[%add3A_40, %and3A_4] : memref<128x128xi32, #tpu.memory_space<vmem>>[vector<16xi32>, vector<16xi32>], vector<16xi32>,
    %swap3A_42 = arith.constant 0 : i32
    %swap3A_43 = arith.index_cast %swap3A_42 : i32 to index
    %swap3A_44 = arith.constant 64 : index
    %swap3A_45 = tpu.vector_load %arg8[%swap3A_43, %swap3A_44] {strides = array<i32>} : memref<1x512xi32, #tpu.memory_space<vmem>>, vector<16xi32>,
    tpu.vector_store %arg8[%swap3A_43, %swap3A_44], %gather3A_41 {strides = array<i32>} : memref<1x512xi32, #tpu.memory_space<vmem>>, vector<16xi32>,
    %add3A_46 = arith.constant 20 : i32
    %add3A_47 = vector.broadcast %add3A_46 : i32 to vector<16xi32>
    %add3A_48 = arith.addi %shift_right_arithmetic3A_6, %add3A_47 : vector<16xi32>
    %gather3A_49 = tpu.vector_load_idx %arg7[%add3A_48, %and3A_4] : memref<128x128xi32, #tpu.memory_space<vmem>>[vector<16xi32>, vector<16xi32>], vector<16xi32>,
    %swap3A_50 = arith.constant 0 : i32
    %swap3A_51 = arith.index_cast %swap3A_50 : i32 to index
    %swap3A_52 = arith.constant 80 : index
    %swap3A_53 = tpu.vector_load %arg8[%swap3A_51, %swap3A_52] {strides = array<i32>} : memref<1x512xi32, #tpu.memory_space<vmem>>, vector<16xi32>,
    tpu.vector_store %arg8[%swap3A_51, %swap3A_52], %gather3A_49 {strides = array<i32>} : memref<1x512xi32, #tpu.memory_space<vmem>>, vector<16xi32>,
    %add3A_54 = arith.constant 24 : i32
    %add3A_55 = vector.broadcast %add3A_54 : i32 to vector<16xi32>
    %add3A_56 = arith.addi %shift_right_arithmetic3A_6, %add3A_55 : vector<16xi32>
    %gather3A_57 = tpu.vector_load_idx %arg7[%add3A_56, %and3A_4] : memref<128x128xi32, #tpu.memory_space<vmem>>[vector<16xi32>, vector<16xi32>], vector<16xi32>,
    %swap3A_58 = arith.constant 0 : i32
    %swap3A_59 = arith.index_cast %swap3A_58 : i32 to index
    %swap3A_60 = arith.constant 96 : index
    %swap3A_61 = tpu.vector_load %arg8[%swap3A_59, %swap3A_60] {strides = array<i32>} : memref<1x512xi32, #tpu.memory_space<vmem>>, vector<16xi32>,
    tpu.vector_store %arg8[%swap3A_59, %swap3A_60], %gather3A_57 {strides = array<i32>} : memref<1x512xi32, #tpu.memory_space<vmem>>, vector<16xi32>,
    %add3A_62 = arith.constant 28 : i32
    %add3A_63 = vector.broadcast %add3A_62 : i32 to vector<16xi32>
    %add3A_64 = arith.addi %shift_right_arithmetic3A_6, %add3A_63 : vector<16xi32>
    %gather3A_65 = tpu.vector_load_idx %arg7[%add3A_64, %and3A_4] : memref<128x128xi32, #tpu.memory_space<vmem>>[vector<16xi32>, vector<16xi32>], vector<16xi32>,
    %swap3A_66 = arith.constant 0 : i32
    %swap3A_67 = arith.index_cast %swap3A_66 : i32 to index
    %swap3A_68 = arith.constant 112 : index
    %swap3A_69 = tpu.vector_load %arg8[%swap3A_67, %swap3A_68] {strides = array<i32>} : memref<1x512xi32, #tpu.memory_space<vmem>>, vector<16xi32>,
    tpu.vector_store %arg8[%swap3A_67, %swap3A_68], %gather3A_65 {strides = array<i32>} : memref<1x512xi32, #tpu.memory_space<vmem>>, vector<16xi32>,
    %add3A_70 = arith.constant 32 : i32
    %add3A_71 = vector.broadcast %add3A_70 : i32 to vector<16xi32>
    %add3A_72 = arith.addi %shift_right_arithmetic3A_6, %add3A_71 : vector<16xi32>
    %gather3A_73 = tpu.vector_load_idx %arg7[%add3A_72, %and3A_4] : memref<128x128xi32, #tpu.memory_space<vmem>>[vector<16xi32>, vector<16xi32>], vector<16xi32>,
    %swap3A_74 = arith.constant 0 : i32
    %swap3A_75 = arith.index_cast %swap3A_74 : i32 to index
    %swap3A_76 = arith.constant 128 : index
    %swap3A_77 = tpu.vector_load %arg8[%swap3A_75, %swap3A_76] {strides = array<i32>} : memref<1x512xi32, #tpu.memory_space<vmem>>, vector<16xi32>,
    tpu.vector_store %arg8[%swap3A_75, %swap3A_76], %gather3A_73 {strides = array<i32>} : memref<1x512xi32, #tpu.memory_space<vmem>>, vector<16xi32>,
    %add3A_78 = arith.constant 36 : i32
    %add3A_79 = vector.broadcast %add3A_78 : i32 to vector<16xi32>
    %add3A_80 = arith.addi %shift_right_arithmetic3A_6, %add3A_79 : vector<16xi32>
    %gather3A_81 = tpu.vector_load_idx %arg7[%add3A_80, %and3A_4] : memref<128x128xi32, #tpu.memory_space<vmem>>[vector<16xi32>, vector<16xi32>], vector<16xi32>,
    %swap3A_82 = arith.constant 0 : i32
    %swap3A_83 = arith.index_cast %swap3A_82 : i32 to index
    %swap3A_84 = arith.constant 144 : index
    %swap3A_85 = tpu.vector_load %arg8[%swap3A_83, %swap3A_84] {strides = array<i32>} : memref<1x512xi32, #tpu.memory_space<vmem>>, vector<16xi32>,
    tpu.vector_store %arg8[%swap3A_83, %swap3A_84], %gather3A_81 {strides = array<i32>} : memref<1x512xi32, #tpu.memory_space<vmem>>, vector<16xi32>,
    %add3A_86 = arith.constant 40 : i32
    %add3A_87 = vector.broadcast %add3A_86 : i32 to vector<16xi32>
    %add3A_88 = arith.addi %shift_right_arithmetic3A_6, %add3A_87 : vector<16xi32>
    %gather3A_89 = tpu.vector_load_idx %arg7[%add3A_88, %and3A_4] : memref<128x128xi32, #tpu.memory_space<vmem>>[vector<16xi32>, vector<16xi32>], vector<16xi32>,
    %swap3A_90 = arith.constant 0 : i32
    %swap3A_91 = arith.index_cast %swap3A_90 : i32 to index
    %swap3A_92 = arith.constant 160 : index
    %swap3A_93 = tpu.vector_load %arg8[%swap3A_91, %swap3A_92] {strides = array<i32>} : memref<1x512xi32, #tpu.memory_space<vmem>>, vector<16xi32>,
    tpu.vector_store %arg8[%swap3A_91, %swap3A_92], %gather3A_89 {strides = array<i32>} : memref<1x512xi32, #tpu.memory_space<vmem>>, vector<16xi32>,
    %add3A_94 = arith.constant 44 : i32
    %add3A_95 = vector.broadcast %add3A_94 : i32 to vector<16xi32>
    %add3A_96 = arith.addi %shift_right_arithmetic3A_6, %add3A_95 : vector<16xi32>
    %gather3A_97 = tpu.vector_load_idx %arg7[%add3A_96, %and3A_4] : memref<128x128xi32, #tpu.memory_space<vmem>>[vector<16xi32>, vector<16xi32>], vector<16xi32>,
    %swap3A_98 = arith.constant 0 : i32
    %swap3A_99 = arith.index_cast %swap3A_98 : i32 to index
    %swap3A_100 = arith.constant 176 : index
    %swap3A_101 = tpu.vector_load %arg8[%swap3A_99, %swap3A_100] {strides = array<i32>} : memref<1x512xi32, #tpu.memory_space<vmem>>, vector<16xi32>,
    tpu.vector_store %arg8[%swap3A_99, %swap3A_100], %gather3A_97 {strides = array<i32>} : memref<1x512xi32, #tpu.memory_space<vmem>>, vector<16xi32>,
    %add3A_102 = arith.constant 48 : i32
    %add3A_103 = vector.broadcast %add3A_102 : i32 to vector<16xi32>
    %add3A_104 = arith.addi %shift_right_arithmetic3A_6, %add3A_103 : vector<16xi32>
    %gather3A_105 = tpu.vector_load_idx %arg7[%add3A_104, %and3A_4] : memref<128x128xi32, #tpu.memory_space<vmem>>[vector<16xi32>, vector<16xi32>], vector<16xi32>,
    %swap3A_106 = arith.constant 0 : i32
    %swap3A_107 = arith.index_cast %swap3A_106 : i32 to index
    %swap3A_108 = arith.constant 192 : index
    %swap3A_109 = tpu.vector_load %arg8[%swap3A_107, %swap3A_108] {strides = array<i32>} : memref<1x512xi32, #tpu.memory_space<vmem>>, vector<16xi32>,
    tpu.vector_store %arg8[%swap3A_107, %swap3A_108], %gather3A_105 {strides = array<i32>} : memref<1x512xi32, #tpu.memory_space<vmem>>, vector<16xi32>,
    %add3A_110 = arith.constant 52 : i32
    %add3A_111 = vector.broadcast %add3A_110 : i32 to vector<16xi32>
    %add3A_112 = arith.addi %shift_right_arithmetic3A_6, %add3A_111 : vector<16xi32>
    %gather3A_113 = tpu.vector_load_idx %arg7[%add3A_112, %and3A_4] : memref<128x128xi32, #tpu.memory_space<vmem>>[vector<16xi32>, vector<16xi32>], vector<16xi32>,
    %swap3A_114 = arith.constant 0 : i32
    %swap3A_115 = arith.index_cast %swap3A_114 : i32 to index
    %swap3A_116 = arith.constant 208 : index
    %swap3A_117 = tpu.vector_load %arg8[%swap3A_115, %swap3A_116] {strides = array<i32>} : memref<1x512xi32, #tpu.memory_space<vmem>>, vector<16xi32>,
    tpu.vector_store %arg8[%swap3A_115, %swap3A_116], %gather3A_113 {strides = array<i32>} : memref<1x512xi32, #tpu.memory_space<vmem>>, vector<16xi32>,
    %add3A_118 = arith.constant 56 : i32
    %add3A_119 = vector.broadcast %add3A_118 : i32 to vector<16xi32>
    %add3A_120 = arith.addi %shift_right_arithmetic3A_6, %add3A_119 : vector<16xi32>
    %gather3A_121 = tpu.vector_load_idx %arg7[%add3A_120, %and3A_4] : memref<128x128xi32, #tpu.memory_space<vmem>>[vector<16xi32>, vector<16xi32>], vector<16xi32>,
    %swap3A_122 = arith.constant 0 : i32
    %swap3A_123 = arith.index_cast %swap3A_122 : i32 to index
    %swap3A_124 = arith.constant 224 : index
    %swap3A_125 = tpu.vector_load %arg8[%swap3A_123, %swap3A_124] {strides = array<i32>} : memref<1x512xi32, #tpu.memory_space<vmem>>, vector<16xi32>,
    tpu.vector_store %arg8[%swap3A_123, %swap3A_124], %gather3A_121 {strides = array<i32>} : memref<1x512xi32, #tpu.memory_space<vmem>>, vector<16xi32>,
    %add3A_126 = arith.constant 60 : i32
    %add3A_127 = vector.broadcast %add3A_126 : i32 to vector<16xi32>
    %add3A_128 = arith.addi %shift_right_arithmetic3A_6, %add3A_127 : vector<16xi32>
    %gather3A_129 = tpu.vector_load_idx %arg7[%add3A_128, %and3A_4] : memref<128x128xi32, #tpu.memory_space<vmem>>[vector<16xi32>, vector<16xi32>], vector<16xi32>,
    %swap3A_130 = arith.constant 0 : i32
    %swap3A_131 = arith.index_cast %swap3A_130 : i32 to index
    %swap3A_132 = arith.constant 240 : index
    %swap3A_133 = tpu.vector_load %arg8[%swap3A_131, %swap3A_132] {strides = array<i32>} : memref<1x512xi32, #tpu.memory_space<vmem>>, vector<16xi32>,
    tpu.vector_store %arg8[%swap3A_131, %swap3A_132], %gather3A_129 {strides = array<i32>} : memref<1x512xi32, #tpu.memory_space<vmem>>, vector<16xi32>,
    %add3A_134 = arith.constant 64 : i32
    %add3A_135 = vector.broadcast %add3A_134 : i32 to vector<16xi32>
    %add3A_136 = arith.addi %shift_right_arithmetic3A_6, %add3A_135 : vector<16xi32>
    %gather3A_137 = tpu.vector_load_idx %arg7[%add3A_136, %and3A_4] : memref<128x128xi32, #tpu.memory_space<vmem>>[vector<16xi32>, vector<16xi32>], vector<16xi32>,
    %swap3A_138 = arith.constant 0 : i32
    %swap3A_139 = arith.index_cast %swap3A_138 : i32 to index
    %swap3A_140 = arith.constant 256 : index
    %swap3A_141 = tpu.vector_load %arg8[%swap3A_139, %swap3A_140] {strides = array<i32>} : memref<1x512xi32, #tpu.memory_space<vmem>>, vector<16xi32>,
    tpu.vector_store %arg8[%swap3A_139, %swap3A_140], %gather3A_137 {strides = array<i32>} : memref<1x512xi32, #tpu.memory_space<vmem>>, vector<16xi32>,
    %add3A_142 = arith.constant 68 : i32
    %add3A_143 = vector.broadcast %add3A_142 : i32 to vector<16xi32>
    %add3A_144 = arith.addi %shift_right_arithmetic3A_6, %add3A_143 : vector<16xi32>
    %gather3A_145 = tpu.vector_load_idx %arg7[%add3A_144, %and3A_4] : memref<128x128xi32, #tpu.memory_space<vmem>>[vector<16xi32>, vector<16xi32>], vector<16xi32>,
    %swap3A_146 = arith.constant 0 : i32
    %swap3A_147 = arith.index_cast %swap3A_146 : i32 to index
    %swap3A_148 = arith.constant 272 : index
    %swap3A_149 = tpu.vector_load %arg8[%swap3A_147, %swap3A_148] {strides = array<i32>} : memref<1x512xi32, #tpu.memory_space<vmem>>, vector<16xi32>,
    tpu.vector_store %arg8[%swap3A_147, %swap3A_148], %gather3A_145 {strides = array<i32>} : memref<1x512xi32, #tpu.memory_space<vmem>>, vector<16xi32>,
    %add3A_150 = arith.constant 72 : i32
    %add3A_151 = vector.broadcast %add3A_150 : i32 to vector<16xi32>
    %add3A_152 = arith.addi %shift_right_arithmetic3A_6, %add3A_151 : vector<16xi32>
    %gather3A_153 = tpu.vector_load_idx %arg7[%add3A_152, %and3A_4] : memref<128x128xi32, #tpu.memory_space<vmem>>[vector<16xi32>, vector<16xi32>], vector<16xi32>,
    %swap3A_154 = arith.constant 0 : i32
    %swap3A_155 = arith.index_cast %swap3A_154 : i32 to index
    %swap3A_156 = arith.constant 288 : index
    %swap3A_157 = tpu.vector_load %arg8[%swap3A_155, %swap3A_156] {strides = array<i32>} : memref<1x512xi32, #tpu.memory_space<vmem>>, vector<16xi32>,
    tpu.vector_store %arg8[%swap3A_155, %swap3A_156], %gather3A_153 {strides = array<i32>} : memref<1x512xi32, #tpu.memory_space<vmem>>, vector<16xi32>,
    %add3A_158 = arith.constant 76 : i32
    %add3A_159 = vector.broadcast %add3A_158 : i32 to vector<16xi32>
    %add3A_160 = arith.addi %shift_right_arithmetic3A_6, %add3A_159 : vector<16xi32>
    %gather3A_161 = tpu.vector_load_idx %arg7[%add3A_160, %and3A_4] : memref<128x128xi32, #tpu.memory_space<vmem>>[vector<16xi32>, vector<16xi32>], vector<16xi32>,
    %swap3A_162 = arith.constant 0 : i32
    %swap3A_163 = arith.index_cast %swap3A_162 : i32 to index
    %swap3A_164 = arith.constant 304 : index
    %swap3A_165 = tpu.vector_load %arg8[%swap3A_163, %swap3A_164] {strides = array<i32>} : memref<1x512xi32, #tpu.memory_space<vmem>>, vector<16xi32>,
    tpu.vector_store %arg8[%swap3A_163, %swap3A_164], %gather3A_161 {strides = array<i32>} : memref<1x512xi32, #tpu.memory_space<vmem>>, vector<16xi32>,
    %add3A_166 = arith.constant 80 : i32
    %add3A_167 = vector.broadcast %add3A_166 : i32 to vector<16xi32>
    %add3A_168 = arith.addi %shift_right_arithmetic3A_6, %add3A_167 : vector<16xi32>
    %gather3A_169 = tpu.vector_load_idx %arg7[%add3A_168, %and3A_4] : memref<128x128xi32, #tpu.memory_space<vmem>>[vector<16xi32>, vector<16xi32>], vector<16xi32>,
    %swap3A_170 = arith.constant 0 : i32
    %swap3A_171 = arith.index_cast %swap3A_170 : i32 to index
    %swap3A_172 = arith.constant 320 : index
    %swap3A_173 = tpu.vector_load %arg8[%swap3A_171, %swap3A_172] {strides = array<i32>} : memref<1x512xi32, #tpu.memory_space<vmem>>, vector<16xi32>,
    tpu.vector_store %arg8[%swap3A_171, %swap3A_172], %gather3A_169 {strides = array<i32>} : memref<1x512xi32, #tpu.memory_space<vmem>>, vector<16xi32>,
    %add3A_174 = arith.constant 84 : i32
    %add3A_175 = vector.broadcast %add3A_174 : i32 to vector<16xi32>
    %add3A_176 = arith.addi %shift_right_arithmetic3A_6, %add3A_175 : vector<16xi32>
    %gather3A_177 = tpu.vector_load_idx %arg7[%add3A_176, %and3A_4] : memref<128x128xi32, #tpu.memory_space<vmem>>[vector<16xi32>, vector<16xi32>], vector<16xi32>,
    %swap3A_178 = arith.constant 0 : i32
    %swap3A_179 = arith.index_cast %swap3A_178 : i32 to index
    %swap3A_180 = arith.constant 336 : index
    %swap3A_181 = tpu.vector_load %arg8[%swap3A_179, %swap3A_180] {strides = array<i32>} : memref<1x512xi32, #tpu.memory_space<vmem>>, vector<16xi32>,
    tpu.vector_store %arg8[%swap3A_179, %swap3A_180], %gather3A_177 {strides = array<i32>} : memref<1x512xi32, #tpu.memory_space<vmem>>, vector<16xi32>,
    %add3A_182 = arith.constant 88 : i32
    %add3A_183 = vector.broadcast %add3A_182 : i32 to vector<16xi32>
    %add3A_184 = arith.addi %shift_right_arithmetic3A_6, %add3A_183 : vector<16xi32>
    %gather3A_185 = tpu.vector_load_idx %arg7[%add3A_184, %and3A_4] : memref<128x128xi32, #tpu.memory_space<vmem>>[vector<16xi32>, vector<16xi32>], vector<16xi32>,
    %swap3A_186 = arith.constant 0 : i32
    %swap3A_187 = arith.index_cast %swap3A_186 : i32 to index
    %swap3A_188 = arith.constant 352 : index
    %swap3A_189 = tpu.vector_load %arg8[%swap3A_187, %swap3A_188] {strides = array<i32>} : memref<1x512xi32, #tpu.memory_space<vmem>>, vector<16xi32>,
    tpu.vector_store %arg8[%swap3A_187, %swap3A_188], %gather3A_185 {strides = array<i32>} : memref<1x512xi32, #tpu.memory_space<vmem>>, vector<16xi32>,
    %add3A_190 = arith.constant 92 : i32
    %add3A_191 = vector.broadcast %add3A_190 : i32 to vector<16xi32>
    %add3A_192 = arith.addi %shift_right_arithmetic3A_6, %add3A_191 : vector<16xi32>
    %gather3A_193 = tpu.vector_load_idx %arg7[%add3A_192, %and3A_4] : memref<128x128xi32, #tpu.memory_space<vmem>>[vector<16xi32>, vector<16xi32>], vector<16xi32>,
    %swap3A_194 = arith.constant 0 : i32
    %swap3A_195 = arith.index_cast %swap3A_194 : i32 to index
    %swap3A_196 = arith.constant 368 : index
    %swap3A_197 = tpu.vector_load %arg8[%swap3A_195, %swap3A_196] {strides = array<i32>} : memref<1x512xi32, #tpu.memory_space<vmem>>, vector<16xi32>,
    tpu.vector_store %arg8[%swap3A_195, %swap3A_196], %gather3A_193 {strides = array<i32>} : memref<1x512xi32, #tpu.memory_space<vmem>>, vector<16xi32>,
    %add3A_198 = arith.constant 96 : i32
    %add3A_199 = vector.broadcast %add3A_198 : i32 to vector<16xi32>
    %add3A_200 = arith.addi %shift_right_arithmetic3A_6, %add3A_199 : vector<16xi32>
    %gather3A_201 = tpu.vector_load_idx %arg7[%add3A_200, %and3A_4] : memref<128x128xi32, #tpu.memory_space<vmem>>[vector<16xi32>, vector<16xi32>], vector<16xi32>,
    %swap3A_202 = arith.constant 0 : i32
    %swap3A_203 = arith.index_cast %swap3A_202 : i32 to index
    %swap3A_204 = arith.constant 384 : index
    %swap3A_205 = tpu.vector_load %arg8[%swap3A_203, %swap3A_204] {strides = array<i32>} : memref<1x512xi32, #tpu.memory_space<vmem>>, vector<16xi32>,
    tpu.vector_store %arg8[%swap3A_203, %swap3A_204], %gather3A_201 {strides = array<i32>} : memref<1x512xi32, #tpu.memory_space<vmem>>, vector<16xi32>,
    %add3A_206 = arith.constant 100 : i32
    %add3A_207 = vector.broadcast %add3A_206 : i32 to vector<16xi32>
    %add3A_208 = arith.addi %shift_right_arithmetic3A_6, %add3A_207 : vector<16xi32>
    %gather3A_209 = tpu.vector_load_idx %arg7[%add3A_208, %and3A_4] : memref<128x128xi32, #tpu.memory_space<vmem>>[vector<16xi32>, vector<16xi32>], vector<16xi32>,
    %swap3A_210 = arith.constant 0 : i32
    %swap3A_211 = arith.index_cast %swap3A_210 : i32 to index
    %swap3A_212 = arith.constant 400 : index
    %swap3A_213 = tpu.vector_load %arg8[%swap3A_211, %swap3A_212] {strides = array<i32>} : memref<1x512xi32, #tpu.memory_space<vmem>>, vector<16xi32>,
    tpu.vector_store %arg8[%swap3A_211, %swap3A_212], %gather3A_209 {strides = array<i32>} : memref<1x512xi32, #tpu.memory_space<vmem>>, vector<16xi32>,
    %add3A_214 = arith.constant 104 : i32
    %add3A_215 = vector.broadcast %add3A_214 : i32 to vector<16xi32>
    %add3A_216 = arith.addi %shift_right_arithmetic3A_6, %add3A_215 : vector<16xi32>
    %gather3A_217 = tpu.vector_load_idx %arg7[%add3A_216, %and3A_4] : memref<128x128xi32, #tpu.memory_space<vmem>>[vector<16xi32>, vector<16xi32>], vector<16xi32>,
    %swap3A_218 = arith.constant 0 : i32
    %swap3A_219 = arith.index_cast %swap3A_218 : i32 to index
    %swap3A_220 = arith.constant 416 : index
    %swap3A_221 = tpu.vector_load %arg8[%swap3A_219, %swap3A_220] {strides = array<i32>} : memref<1x512xi32, #tpu.memory_space<vmem>>, vector<16xi32>,
    tpu.vector_store %arg8[%swap3A_219, %swap3A_220], %gather3A_217 {strides = array<i32>} : memref<1x512xi32, #tpu.memory_space<vmem>>, vector<16xi32>,
    %add3A_222 = arith.constant 108 : i32
    %add3A_223 = vector.broadcast %add3A_222 : i32 to vector<16xi32>
    %add3A_224 = arith.addi %shift_right_arithmetic3A_6, %add3A_223 : vector<16xi32>
    %gather3A_225 = tpu.vector_load_idx %arg7[%add3A_224, %and3A_4] : memref<128x128xi32, #tpu.memory_space<vmem>>[vector<16xi32>, vector<16xi32>], vector<16xi32>,
    %swap3A_226 = arith.constant 0 : i32
    %swap3A_227 = arith.index_cast %swap3A_226 : i32 to index
    %swap3A_228 = arith.constant 432 : index
    %swap3A_229 = tpu.vector_load %arg8[%swap3A_227, %swap3A_228] {strides = array<i32>} : memref<1x512xi32, #tpu.memory_space<vmem>>, vector<16xi32>,
    tpu.vector_store %arg8[%swap3A_227, %swap3A_228], %gather3A_225 {strides = array<i32>} : memref<1x512xi32, #tpu.memory_space<vmem>>, vector<16xi32>,
    %add3A_230 = arith.constant 112 : i32
    %add3A_231 = vector.broadcast %add3A_230 : i32 to vector<16xi32>
    %add3A_232 = arith.addi %shift_right_arithmetic3A_6, %add3A_231 : vector<16xi32>
    %gather3A_233 = tpu.vector_load_idx %arg7[%add3A_232, %and3A_4] : memref<128x128xi32, #tpu.memory_space<vmem>>[vector<16xi32>, vector<16xi32>], vector<16xi32>,
    %swap3A_234 = arith.constant 0 : i32
    %swap3A_235 = arith.index_cast %swap3A_234 : i32 to index
    %swap3A_236 = arith.constant 448 : index
    %swap3A_237 = tpu.vector_load %arg8[%swap3A_235, %swap3A_236] {strides = array<i32>} : memref<1x512xi32, #tpu.memory_space<vmem>>, vector<16xi32>,
    tpu.vector_store %arg8[%swap3A_235, %swap3A_236], %gather3A_233 {strides = array<i32>} : memref<1x512xi32, #tpu.memory_space<vmem>>, vector<16xi32>,
    %add3A_238 = arith.constant 116 : i32
    %add3A_239 = vector.broadcast %add3A_238 : i32 to vector<16xi32>
    %add3A_240 = arith.addi %shift_right_arithmetic3A_6, %add3A_239 : vector<16xi32>
    %gather3A_241 = tpu.vector_load_idx %arg7[%add3A_240, %and3A_4] : memref<128x128xi32, #tpu.memory_space<vmem>>[vector<16xi32>, vector<16xi32>], vector<16xi32>,
    %swap3A_242 = arith.constant 0 : i32
    %swap3A_243 = arith.index_cast %swap3A_242 : i32 to index
    %swap3A_244 = arith.constant 464 : index
    %swap3A_245 = tpu.vector_load %arg8[%swap3A_243, %swap3A_244] {strides = array<i32>} : memref<1x512xi32, #tpu.memory_space<vmem>>, vector<16xi32>,
    tpu.vector_store %arg8[%swap3A_243, %swap3A_244], %gather3A_241 {strides = array<i32>} : memref<1x512xi32, #tpu.memory_space<vmem>>, vector<16xi32>,
    %add3A_246 = arith.constant 120 : i32
    %add3A_247 = vector.broadcast %add3A_246 : i32 to vector<16xi32>
    %add3A_248 = arith.addi %shift_right_arithmetic3A_6, %add3A_247 : vector<16xi32>
    %gather3A_249 = tpu.vector_load_idx %arg7[%add3A_248, %and3A_4] : memref<128x128xi32, #tpu.memory_space<vmem>>[vector<16xi32>, vector<16xi32>], vector<16xi32>,
    %swap3A_250 = arith.constant 0 : i32
    %swap3A_251 = arith.index_cast %swap3A_250 : i32 to index
    %swap3A_252 = arith.constant 480 : index
    %swap3A_253 = tpu.vector_load %arg8[%swap3A_251, %swap3A_252] {strides = array<i32>} : memref<1x512xi32, #tpu.memory_space<vmem>>, vector<16xi32>,
    tpu.vector_store %arg8[%swap3A_251, %swap3A_252], %gather3A_249 {strides = array<i32>} : memref<1x512xi32, #tpu.memory_space<vmem>>, vector<16xi32>,
    %add3A_254 = arith.constant 124 : i32
    %add3A_255 = vector.broadcast %add3A_254 : i32 to vector<16xi32>
    %add3A_256 = arith.addi %shift_right_arithmetic3A_6, %add3A_255 : vector<16xi32>
    %gather3A_257 = tpu.vector_load_idx %arg7[%add3A_256, %and3A_4] : memref<128x128xi32, #tpu.memory_space<vmem>>[vector<16xi32>, vector<16xi32>], vector<16xi32>,
    %swap3A_258 = arith.constant 0 : i32
    %swap3A_259 = arith.index_cast %swap3A_258 : i32 to index
    %swap3A_260 = arith.constant 496 : index
    %swap3A_261 = tpu.vector_load %arg8[%swap3A_259, %swap3A_260] {strides = array<i32>} : memref<1x512xi32, #tpu.memory_space<vmem>>, vector<16xi32>,
    tpu.vector_store %arg8[%swap3A_259, %swap3A_260], %gather3A_257 {strides = array<i32>} : memref<1x512xi32, #tpu.memory_space<vmem>>, vector<16xi32>,
    %dma_start3A = arith.constant 0 : i32
    %dma_start3A_262 = arith.constant 0 : i32
    %dma_start3A_263 = tpu.memref_slice %arg9[%dma_start3A, %dma_start3A_262] : memref<1x512xf32, #tpu.memory_space<vmem>> -> memref<1x128xf32, #tpu.memory_space<vmem>>
    %dma_start3A_264 = arith.constant 0 : i32
    %dma_start3A_265 = arith.constant 0 : i32
    %dma_start3A_266 = tpu.memref_slice %arg8[%dma_start3A_264, %dma_start3A_265] : memref<1x512xi32, #tpu.memory_space<vmem>> -> memref<1x128xi32, #tpu.memory_space<vmem>>
    %dma_start3A_267 = arith.constant 0 : i32
    %dma_start3A_268 = arith.constant 0 : i32
    %dma_start3A_269 = tpu.memref_slice %arg3[%dma_start3A_267, %dma_start3A_268] : memref<1x1000000xf32, #tpu.memory_space<hbm>> -> memref<1x1000000xf32, #tpu.memory_space<hbm>>
    tpu.enqueue_indirect_dma source(%dma_start3A_269 : memref<1x1000000xf32, #tpu.memory_space<hbm>>) target(%dma_start3A_263 : memref<1x128xf32, #tpu.memory_space<vmem>>) offsets(%dma_start3A_266 : memref<1x128xi32, #tpu.memory_space<vmem>>) semaphore(%arg13 : memref<!tpu.dma_semaphore, #tpu.memory_space<semaphore_mem>>)
    %dma_start3A_270 = arith.constant 0 : i32
    %dma_start3A_271 = arith.constant 0 : i32
    %dma_start3A_272 = tpu.memref_slice %arg10[%dma_start3A_270, %dma_start3A_271] : memref<1x512xf32, #tpu.memory_space<vmem>> -> memref<1x128xf32, #tpu.memory_space<vmem>>
    %dma_start3A_273 = arith.constant 0 : i32
    %dma_start3A_274 = arith.constant 0 : i32
    %dma_start3A_275 = tpu.memref_slice %arg8[%dma_start3A_273, %dma_start3A_274] : memref<1x512xi32, #tpu.memory_space<vmem>> -> memref<1x128xi32, #tpu.memory_space<vmem>>
    %dma_start3A_276 = arith.constant 0 : i32
    %dma_start3A_277 = arith.constant 0 : i32
    %dma_start3A_278 = tpu.memref_slice %arg4[%dma_start3A_276, %dma_start3A_277] : memref<1x1000000xf32, #tpu.memory_space<hbm>> -> memref<1x1000000xf32, #tpu.memory_space<hbm>>
    tpu.enqueue_indirect_dma source(%dma_start3A_278 : memref<1x1000000xf32, #tpu.memory_space<hbm>>) target(%dma_start3A_272 : memref<1x128xf32, #tpu.memory_space<vmem>>) offsets(%dma_start3A_275 : memref<1x128xi32, #tpu.memory_space<vmem>>) semaphore(%arg13 : memref<!tpu.dma_semaphore, #tpu.memory_space<semaphore_mem>>)
    %dma_start3A_279 = arith.constant 0 : i32
    %dma_start3A_280 = arith.constant 128 : i32
    %dma_start3A_281 = tpu.memref_slice %arg9[%dma_start3A_279, %dma_start3A_280] : memref<1x512xf32, #tpu.memory_space<vmem>> -> memref<1x128xf32, #tpu.memory_space<vmem>>
    %dma_start3A_282 = arith.constant 0 : i32
    %dma_start3A_283 = arith.constant 128 : i32
    %dma_start3A_284 = tpu.memref_slice %arg8[%dma_start3A_282, %dma_start3A_283] : memref<1x512xi32, #tpu.memory_space<vmem>> -> memref<1x128xi32, #tpu.memory_space<vmem>>
    %dma_start3A_285 = arith.constant 0 : i32
    %dma_start3A_286 = arith.constant 0 : i32
    %dma_start3A_287 = tpu.memref_slice %arg3[%dma_start3A_285, %dma_start3A_286] : memref<1x1000000xf32, #tpu.memory_space<hbm>> -> memref<1x1000000xf32, #tpu.memory_space<hbm>>
    tpu.enqueue_indirect_dma source(%dma_start3A_287 : memref<1x1000000xf32, #tpu.memory_space<hbm>>) target(%dma_start3A_281 : memref<1x128xf32, #tpu.memory_space<vmem>>) offsets(%dma_start3A_284 : memref<1x128xi32, #tpu.memory_space<vmem>>) semaphore(%arg13 : memref<!tpu.dma_semaphore, #tpu.memory_space<semaphore_mem>>)
    %dma_start3A_288 = arith.constant 0 : i32
    %dma_start3A_289 = arith.constant 128 : i32
    %dma_start3A_290 = tpu.memref_slice %arg10[%dma_start3A_288, %dma_start3A_289] : memref<1x512xf32, #tpu.memory_space<vmem>> -> memref<1x128xf32, #tpu.memory_space<vmem>>
    %dma_start3A_291 = arith.constant 0 : i32
    %dma_start3A_292 = arith.constant 128 : i32
    %dma_start3A_293 = tpu.memref_slice %arg8[%dma_start3A_291, %dma_start3A_292] : memref<1x512xi32, #tpu.memory_space<vmem>> -> memref<1x128xi32, #tpu.memory_space<vmem>>
    %dma_start3A_294 = arith.constant 0 : i32
    %dma_start3A_295 = arith.constant 0 : i32
    %dma_start3A_296 = tpu.memref_slice %arg4[%dma_start3A_294, %dma_start3A_295] : memref<1x1000000xf32, #tpu.memory_space<hbm>> -> memref<1x1000000xf32, #tpu.memory_space<hbm>>
    tpu.enqueue_indirect_dma source(%dma_start3A_296 : memref<1x1000000xf32, #tpu.memory_space<hbm>>) target(%dma_start3A_290 : memref<1x128xf32, #tpu.memory_space<vmem>>) offsets(%dma_start3A_293 : memref<1x128xi32, #tpu.memory_space<vmem>>) semaphore(%arg13 : memref<!tpu.dma_semaphore, #tpu.memory_space<semaphore_mem>>)
    %dma_start3A_297 = arith.constant 0 : i32
    %dma_start3A_298 = arith.constant 256 : i32
    %dma_start3A_299 = tpu.memref_slice %arg9[%dma_start3A_297, %dma_start3A_298] : memref<1x512xf32, #tpu.memory_space<vmem>> -> memref<1x128xf32, #tpu.memory_space<vmem>>
    %dma_start3A_300 = arith.constant 0 : i32
    %dma_start3A_301 = arith.constant 256 : i32
    %dma_start3A_302 = tpu.memref_slice %arg8[%dma_start3A_300, %dma_start3A_301] : memref<1x512xi32, #tpu.memory_space<vmem>> -> memref<1x128xi32, #tpu.memory_space<vmem>>
    %dma_start3A_303 = arith.constant 0 : i32
    %dma_start3A_304 = arith.constant 0 : i32
    %dma_start3A_305 = tpu.memref_slice %arg3[%dma_start3A_303, %dma_start3A_304] : memref<1x1000000xf32, #tpu.memory_space<hbm>> -> memref<1x1000000xf32, #tpu.memory_space<hbm>>
    tpu.enqueue_indirect_dma source(%dma_start3A_305 : memref<1x1000000xf32, #tpu.memory_space<hbm>>) target(%dma_start3A_299 : memref<1x128xf32, #tpu.memory_space<vmem>>) offsets(%dma_start3A_302 : memref<1x128xi32, #tpu.memory_space<vmem>>) semaphore(%arg13 : memref<!tpu.dma_semaphore, #tpu.memory_space<semaphore_mem>>)
    %dma_start3A_306 = arith.constant 0 : i32
    %dma_start3A_307 = arith.constant 256 : i32
    %dma_start3A_308 = tpu.memref_slice %arg10[%dma_start3A_306, %dma_start3A_307] : memref<1x512xf32, #tpu.memory_space<vmem>> -> memref<1x128xf32, #tpu.memory_space<vmem>>
    %dma_start3A_309 = arith.constant 0 : i32
    %dma_start3A_310 = arith.constant 256 : i32
    %dma_start3A_311 = tpu.memref_slice %arg8[%dma_start3A_309, %dma_start3A_310] : memref<1x512xi32, #tpu.memory_space<vmem>> -> memref<1x128xi32, #tpu.memory_space<vmem>>
    %dma_start3A_312 = arith.constant 0 : i32
    %dma_start3A_313 = arith.constant 0 : i32
    %dma_start3A_314 = tpu.memref_slice %arg4[%dma_start3A_312, %dma_start3A_313] : memref<1x1000000xf32, #tpu.memory_space<hbm>> -> memref<1x1000000xf32, #tpu.memory_space<hbm>>
    tpu.enqueue_indirect_dma source(%dma_start3A_314 : memref<1x1000000xf32, #tpu.memory_space<hbm>>) target(%dma_start3A_308 : memref<1x128xf32, #tpu.memory_space<vmem>>) offsets(%dma_start3A_311 : memref<1x128xi32, #tpu.memory_space<vmem>>) semaphore(%arg13 : memref<!tpu.dma_semaphore, #tpu.memory_space<semaphore_mem>>)
    %dma_start3A_315 = arith.constant 0 : i32
    %dma_start3A_316 = arith.constant 384 : i32
    %dma_start3A_317 = tpu.memref_slice %arg9[%dma_start3A_315, %dma_start3A_316] : memref<1x512xf32, #tpu.memory_space<vmem>> -> memref<1x128xf32, #tpu.memory_space<vmem>>
    %dma_start3A_318 = arith.constant 0 : i32
    %dma_start3A_319 = arith.constant 384 : i32
    %dma_start3A_320 = tpu.memref_slice %arg8[%dma_start3A_318, %dma_start3A_319] : memref<1x512xi32, #tpu.memory_space<vmem>> -> memref<1x128xi32, #tpu.memory_space<vmem>>
    %dma_start3A_321 = arith.constant 0 : i32
    %dma_start3A_322 = arith.constant 0 : i32
    %dma_start3A_323 = tpu.memref_slice %arg3[%dma_start3A_321, %dma_start3A_322] : memref<1x1000000xf32, #tpu.memory_space<hbm>> -> memref<1x1000000xf32, #tpu.memory_space<hbm>>
    tpu.enqueue_indirect_dma source(%dma_start3A_323 : memref<1x1000000xf32, #tpu.memory_space<hbm>>) target(%dma_start3A_317 : memref<1x128xf32, #tpu.memory_space<vmem>>) offsets(%dma_start3A_320 : memref<1x128xi32, #tpu.memory_space<vmem>>) semaphore(%arg13 : memref<!tpu.dma_semaphore, #tpu.memory_space<semaphore_mem>>)
    %dma_start3A_324 = arith.constant 0 : i32
    %dma_start3A_325 = arith.constant 384 : i32
    %dma_start3A_326 = tpu.memref_slice %arg10[%dma_start3A_324, %dma_start3A_325] : memref<1x512xf32, #tpu.memory_space<vmem>> -> memref<1x128xf32, #tpu.memory_space<vmem>>
    %dma_start3A_327 = arith.constant 0 : i32
    %dma_start3A_328 = arith.constant 384 : i32
    %dma_start3A_329 = tpu.memref_slice %arg8[%dma_start3A_327, %dma_start3A_328] : memref<1x512xi32, #tpu.memory_space<vmem>> -> memref<1x128xi32, #tpu.memory_space<vmem>>
    %dma_start3A_330 = arith.constant 0 : i32
    %dma_start3A_331 = arith.constant 0 : i32
    %dma_start3A_332 = tpu.memref_slice %arg4[%dma_start3A_330, %dma_start3A_331] : memref<1x1000000xf32, #tpu.memory_space<hbm>> -> memref<1x1000000xf32, #tpu.memory_space<hbm>>
    tpu.enqueue_indirect_dma source(%dma_start3A_332 : memref<1x1000000xf32, #tpu.memory_space<hbm>>) target(%dma_start3A_326 : memref<1x128xf32, #tpu.memory_space<vmem>>) offsets(%dma_start3A_329 : memref<1x128xi32, #tpu.memory_space<vmem>>) semaphore(%arg13 : memref<!tpu.dma_semaphore, #tpu.memory_space<semaphore_mem>>)
    %dma_wait3A = arith.constant 0 : i32
    %dma_wait3A_333 = arith.constant 0 : i32
    %dma_wait3A_334 = tpu.memref_slice %arg9[%dma_wait3A, %dma_wait3A_333] : memref<1x512xf32, #tpu.memory_space<vmem>> -> memref<1x128xf32, #tpu.memory_space<vmem>>
    %dma_wait3A_335 = arith.constant 0 : i32
    %dma_wait3A_336 = arith.constant 0 : i32
    %dma_wait3A_337 = tpu.memref_slice %arg8[%dma_wait3A_335, %dma_wait3A_336] : memref<1x512xi32, #tpu.memory_space<vmem>> -> memref<1x128xi32, #tpu.memory_space<vmem>>
    %dma_wait3A_338 = arith.constant 0 : i32
    %dma_wait3A_339 = arith.constant 0 : i32
    %dma_wait3A_340 = tpu.memref_slice %arg3[%dma_wait3A_338, %dma_wait3A_339] : memref<1x1000000xf32, #tpu.memory_space<hbm>> -> memref<1x1000000xf32, #tpu.memory_space<hbm>>
    tpu.wait_indirect_dma semaphore(%arg13 : memref<!tpu.dma_semaphore, #tpu.memory_space<semaphore_mem>>) src(%dma_wait3A_340 : memref<1x1000000xf32, #tpu.memory_space<hbm>>) dst(%dma_wait3A_334 : memref<1x128xf32, #tpu.memory_space<vmem>>)
    %dma_wait3A_341 = arith.constant 0 : i32
    %dma_wait3A_342 = arith.constant 0 : i32
    %dma_wait3A_343 = tpu.memref_slice %arg10[%dma_wait3A_341, %dma_wait3A_342] : memref<1x512xf32, #tpu.memory_space<vmem>> -> memref<1x128xf32, #tpu.memory_space<vmem>>
    %dma_wait3A_344 = arith.constant 0 : i32
    %dma_wait3A_345 = arith.constant 0 : i32
    %dma_wait3A_346 = tpu.memref_slice %arg8[%dma_wait3A_344, %dma_wait3A_345] : memref<1x512xi32, #tpu.memory_space<vmem>> -> memref<1x128xi32, #tpu.memory_space<vmem>>
    %dma_wait3A_347 = arith.constant 0 : i32
    %dma_wait3A_348 = arith.constant 0 : i32
    %dma_wait3A_349 = tpu.memref_slice %arg4[%dma_wait3A_347, %dma_wait3A_348] : memref<1x1000000xf32, #tpu.memory_space<hbm>> -> memref<1x1000000xf32, #tpu.memory_space<hbm>>
    tpu.wait_indirect_dma semaphore(%arg13 : memref<!tpu.dma_semaphore, #tpu.memory_space<semaphore_mem>>) src(%dma_wait3A_349 : memref<1x1000000xf32, #tpu.memory_space<hbm>>) dst(%dma_wait3A_343 : memref<1x128xf32, #tpu.memory_space<vmem>>)
    %dma_wait3A_350 = arith.constant 0 : i32
    %dma_wait3A_351 = arith.constant 128 : i32
    %dma_wait3A_352 = tpu.memref_slice %arg9[%dma_wait3A_350, %dma_wait3A_351] : memref<1x512xf32, #tpu.memory_space<vmem>> -> memref<1x128xf32, #tpu.memory_space<vmem>>
    %dma_wait3A_353 = arith.constant 0 : i32
    %dma_wait3A_354 = arith.constant 128 : i32
    %dma_wait3A_355 = tpu.memref_slice %arg8[%dma_wait3A_353, %dma_wait3A_354] : memref<1x512xi32, #tpu.memory_space<vmem>> -> memref<1x128xi32, #tpu.memory_space<vmem>>
    %dma_wait3A_356 = arith.constant 0 : i32
    %dma_wait3A_357 = arith.constant 0 : i32
    %dma_wait3A_358 = tpu.memref_slice %arg3[%dma_wait3A_356, %dma_wait3A_357] : memref<1x1000000xf32, #tpu.memory_space<hbm>> -> memref<1x1000000xf32, #tpu.memory_space<hbm>>
    tpu.wait_indirect_dma semaphore(%arg13 : memref<!tpu.dma_semaphore, #tpu.memory_space<semaphore_mem>>) src(%dma_wait3A_358 : memref<1x1000000xf32, #tpu.memory_space<hbm>>) dst(%dma_wait3A_352 : memref<1x128xf32, #tpu.memory_space<vmem>>)
    %dma_wait3A_359 = arith.constant 0 : i32
    %dma_wait3A_360 = arith.constant 128 : i32
    %dma_wait3A_361 = tpu.memref_slice %arg10[%dma_wait3A_359, %dma_wait3A_360] : memref<1x512xf32, #tpu.memory_space<vmem>> -> memref<1x128xf32, #tpu.memory_space<vmem>>
    %dma_wait3A_362 = arith.constant 0 : i32
    %dma_wait3A_363 = arith.constant 128 : i32
    %dma_wait3A_364 = tpu.memref_slice %arg8[%dma_wait3A_362, %dma_wait3A_363] : memref<1x512xi32, #tpu.memory_space<vmem>> -> memref<1x128xi32, #tpu.memory_space<vmem>>
    %dma_wait3A_365 = arith.constant 0 : i32
    %dma_wait3A_366 = arith.constant 0 : i32
    %dma_wait3A_367 = tpu.memref_slice %arg4[%dma_wait3A_365, %dma_wait3A_366] : memref<1x1000000xf32, #tpu.memory_space<hbm>> -> memref<1x1000000xf32, #tpu.memory_space<hbm>>
    tpu.wait_indirect_dma semaphore(%arg13 : memref<!tpu.dma_semaphore, #tpu.memory_space<semaphore_mem>>) src(%dma_wait3A_367 : memref<1x1000000xf32, #tpu.memory_space<hbm>>) dst(%dma_wait3A_361 : memref<1x128xf32, #tpu.memory_space<vmem>>)
    %dma_wait3A_368 = arith.constant 0 : i32
    %dma_wait3A_369 = arith.constant 256 : i32
    %dma_wait3A_370 = tpu.memref_slice %arg9[%dma_wait3A_368, %dma_wait3A_369] : memref<1x512xf32, #tpu.memory_space<vmem>> -> memref<1x128xf32, #tpu.memory_space<vmem>>
    %dma_wait3A_371 = arith.constant 0 : i32
    %dma_wait3A_372 = arith.constant 256 : i32
    %dma_wait3A_373 = tpu.memref_slice %arg8[%dma_wait3A_371, %dma_wait3A_372] : memref<1x512xi32, #tpu.memory_space<vmem>> -> memref<1x128xi32, #tpu.memory_space<vmem>>
    %dma_wait3A_374 = arith.constant 0 : i32
    %dma_wait3A_375 = arith.constant 0 : i32
    %dma_wait3A_376 = tpu.memref_slice %arg3[%dma_wait3A_374, %dma_wait3A_375] : memref<1x1000000xf32, #tpu.memory_space<hbm>> -> memref<1x1000000xf32, #tpu.memory_space<hbm>>
    tpu.wait_indirect_dma semaphore(%arg13 : memref<!tpu.dma_semaphore, #tpu.memory_space<semaphore_mem>>) src(%dma_wait3A_376 : memref<1x1000000xf32, #tpu.memory_space<hbm>>) dst(%dma_wait3A_370 : memref<1x128xf32, #tpu.memory_space<vmem>>)
    %dma_wait3A_377 = arith.constant 0 : i32
    %dma_wait3A_378 = arith.constant 256 : i32
    %dma_wait3A_379 = tpu.memref_slice %arg10[%dma_wait3A_377, %dma_wait3A_378] : memref<1x512xf32, #tpu.memory_space<vmem>> -> memref<1x128xf32, #tpu.memory_space<vmem>>
    %dma_wait3A_380 = arith.constant 0 : i32
    %dma_wait3A_381 = arith.constant 256 : i32
    %dma_wait3A_382 = tpu.memref_slice %arg8[%dma_wait3A_380, %dma_wait3A_381] : memref<1x512xi32, #tpu.memory_space<vmem>> -> memref<1x128xi32, #tpu.memory_space<vmem>>
    %dma_wait3A_383 = arith.constant 0 : i32
    %dma_wait3A_384 = arith.constant 0 : i32
    %dma_wait3A_385 = tpu.memref_slice %arg4[%dma_wait3A_383, %dma_wait3A_384] : memref<1x1000000xf32, #tpu.memory_space<hbm>> -> memref<1x1000000xf32, #tpu.memory_space<hbm>>
    tpu.wait_indirect_dma semaphore(%arg13 : memref<!tpu.dma_semaphore, #tpu.memory_space<semaphore_mem>>) src(%dma_wait3A_385 : memref<1x1000000xf32, #tpu.memory_space<hbm>>) dst(%dma_wait3A_379 : memref<1x128xf32, #tpu.memory_space<vmem>>)
    %dma_wait3A_386 = arith.constant 0 : i32
    %dma_wait3A_387 = arith.constant 384 : i32
    %dma_wait3A_388 = tpu.memref_slice %arg9[%dma_wait3A_386, %dma_wait3A_387] : memref<1x512xf32, #tpu.memory_space<vmem>> -> memref<1x128xf32, #tpu.memory_space<vmem>>
    %dma_wait3A_389 = arith.constant 0 : i32
    %dma_wait3A_390 = arith.constant 384 : i32
    %dma_wait3A_391 = tpu.memref_slice %arg8[%dma_wait3A_389, %dma_wait3A_390] : memref<1x512xi32, #tpu.memory_space<vmem>> -> memref<1x128xi32, #tpu.memory_space<vmem>>
    %dma_wait3A_392 = arith.constant 0 : i32
    %dma_wait3A_393 = arith.constant 0 : i32
    %dma_wait3A_394 = tpu.memref_slice %arg3[%dma_wait3A_392, %dma_wait3A_393] : memref<1x1000000xf32, #tpu.memory_space<hbm>> -> memref<1x1000000xf32, #tpu.memory_space<hbm>>
    tpu.wait_indirect_dma semaphore(%arg13 : memref<!tpu.dma_semaphore, #tpu.memory_space<semaphore_mem>>) src(%dma_wait3A_394 : memref<1x1000000xf32, #tpu.memory_space<hbm>>) dst(%dma_wait3A_388 : memref<1x128xf32, #tpu.memory_space<vmem>>)
    %dma_wait3A_395 = arith.constant 0 : i32
    %dma_wait3A_396 = arith.constant 384 : i32
    %dma_wait3A_397 = tpu.memref_slice %arg10[%dma_wait3A_395, %dma_wait3A_396] : memref<1x512xf32, #tpu.memory_space<vmem>> -> memref<1x128xf32, #tpu.memory_space<vmem>>
    %dma_wait3A_398 = arith.constant 0 : i32
    %dma_wait3A_399 = arith.constant 384 : i32
    %dma_wait3A_400 = tpu.memref_slice %arg8[%dma_wait3A_398, %dma_wait3A_399] : memref<1x512xi32, #tpu.memory_space<vmem>> -> memref<1x128xi32, #tpu.memory_space<vmem>>
    %dma_wait3A_401 = arith.constant 0 : i32
    %dma_wait3A_402 = arith.constant 0 : i32
    %dma_wait3A_403 = tpu.memref_slice %arg4[%dma_wait3A_401, %dma_wait3A_402] : memref<1x1000000xf32, #tpu.memory_space<hbm>> -> memref<1x1000000xf32, #tpu.memory_space<hbm>>
    tpu.wait_indirect_dma semaphore(%arg13 : memref<!tpu.dma_semaphore, #tpu.memory_space<semaphore_mem>>) src(%dma_wait3A_403 : memref<1x1000000xf32, #tpu.memory_space<hbm>>) dst(%dma_wait3A_397 : memref<1x128xf32, #tpu.memory_space<vmem>>)
    %add3A_404 = arith.constant 0 : i32
    %add3A_405 = vector.broadcast %add3A_404 : i32 to vector<16xi32>
    %add3A_406 = arith.addi %iota3A, %add3A_405 : vector<16xi32>
    %add3A_407 = arith.constant 0 : i32
    %add3A_408 = vector.broadcast %add3A_407 : i32 to vector<16xi32>
    %add3A_409 = arith.addi %shift_right_arithmetic3A_6, %add3A_408 : vector<16xi32>
    %gather3A_410 = tpu.vector_load_idx %arg9[%broadcast_in_dim3A_7, %add3A_406] : memref<1x512xf32, #tpu.memory_space<vmem>>[vector<16xi32>, vector<16xi32>], vector<16xf32>,
    %gather3A_411 = tpu.vector_load_idx %arg10[%broadcast_in_dim3A_7, %add3A_406] : memref<1x512xf32, #tpu.memory_space<vmem>>[vector<16xi32>, vector<16xi32>], vector<16xf32>,
    tpu.vector_store_idx %arg11[%add3A_409, %and3A_4], %gather3A_410 : memref<128x128xf32, #tpu.memory_space<vmem>>[vector<16xi32>, vector<16xi32>], vector<16xf32>,
    tpu.vector_store_idx %arg12[%add3A_409, %and3A_4], %gather3A_411 : memref<128x128xf32, #tpu.memory_space<vmem>>[vector<16xi32>, vector<16xi32>], vector<16xf32>,
    %add3A_412 = arith.constant 16 : i32
    %add3A_413 = vector.broadcast %add3A_412 : i32 to vector<16xi32>
    %add3A_414 = arith.addi %iota3A, %add3A_413 : vector<16xi32>
    %add3A_415 = arith.constant 4 : i32
    %add3A_416 = vector.broadcast %add3A_415 : i32 to vector<16xi32>
    %add3A_417 = arith.addi %shift_right_arithmetic3A_6, %add3A_416 : vector<16xi32>
    %gather3A_418 = tpu.vector_load_idx %arg9[%broadcast_in_dim3A_7, %add3A_414] : memref<1x512xf32, #tpu.memory_space<vmem>>[vector<16xi32>, vector<16xi32>], vector<16xf32>,
    %gather3A_419 = tpu.vector_load_idx %arg10[%broadcast_in_dim3A_7, %add3A_414] : memref<1x512xf32, #tpu.memory_space<vmem>>[vector<16xi32>, vector<16xi32>], vector<16xf32>,
    tpu.vector_store_idx %arg11[%add3A_417, %and3A_4], %gather3A_418 : memref<128x128xf32, #tpu.memory_space<vmem>>[vector<16xi32>, vector<16xi32>], vector<16xf32>,
    tpu.vector_store_idx %arg12[%add3A_417, %and3A_4], %gather3A_419 : memref<128x128xf32, #tpu.memory_space<vmem>>[vector<16xi32>, vector<16xi32>], vector<16xf32>,
    %add3A_420 = arith.constant 32 : i32
    %add3A_421 = vector.broadcast %add3A_420 : i32 to vector<16xi32>
    %add3A_422 = arith.addi %iota3A, %add3A_421 : vector<16xi32>
    %add3A_423 = arith.constant 8 : i32
    %add3A_424 = vector.broadcast %add3A_423 : i32 to vector<16xi32>
    %add3A_425 = arith.addi %shift_right_arithmetic3A_6, %add3A_424 : vector<16xi32>
    %gather3A_426 = tpu.vector_load_idx %arg9[%broadcast_in_dim3A_7, %add3A_422] : memref<1x512xf32, #tpu.memory_space<vmem>>[vector<16xi32>, vector<16xi32>], vector<16xf32>,
    %gather3A_427 = tpu.vector_load_idx %arg10[%broadcast_in_dim3A_7, %add3A_422] : memref<1x512xf32, #tpu.memory_space<vmem>>[vector<16xi32>, vector<16xi32>], vector<16xf32>,
    tpu.vector_store_idx %arg11[%add3A_425, %and3A_4], %gather3A_426 : memref<128x128xf32, #tpu.memory_space<vmem>>[vector<16xi32>, vector<16xi32>], vector<16xf32>,
    tpu.vector_store_idx %arg12[%add3A_425, %and3A_4], %gather3A_427 : memref<128x128xf32, #tpu.memory_space<vmem>>[vector<16xi32>, vector<16xi32>], vector<16xf32>,
    %add3A_428 = arith.constant 48 : i32
    %add3A_429 = vector.broadcast %add3A_428 : i32 to vector<16xi32>
    %add3A_430 = arith.addi %iota3A, %add3A_429 : vector<16xi32>
    %add3A_431 = arith.constant 12 : i32
    %add3A_432 = vector.broadcast %add3A_431 : i32 to vector<16xi32>
    %add3A_433 = arith.addi %shift_right_arithmetic3A_6, %add3A_432 : vector<16xi32>
    %gather3A_434 = tpu.vector_load_idx %arg9[%broadcast_in_dim3A_7, %add3A_430] : memref<1x512xf32, #tpu.memory_space<vmem>>[vector<16xi32>, vector<16xi32>], vector<16xf32>,
    %gather3A_435 = tpu.vector_load_idx %arg10[%broadcast_in_dim3A_7, %add3A_430] : memref<1x512xf32, #tpu.memory_space<vmem>>[vector<16xi32>, vector<16xi32>], vector<16xf32>,
    tpu.vector_store_idx %arg11[%add3A_433, %and3A_4], %gather3A_434 : memref<128x128xf32, #tpu.memory_space<vmem>>[vector<16xi32>, vector<16xi32>], vector<16xf32>,
    tpu.vector_store_idx %arg12[%add3A_433, %and3A_4], %gather3A_435 : memref<128x128xf32, #tpu.memory_space<vmem>>[vector<16xi32>, vector<16xi32>], vector<16xf32>,
    %add3A_436 = arith.constant 64 : i32
    %add3A_437 = vector.broadcast %add3A_436 : i32 to vector<16xi32>
    %add3A_438 = arith.addi %iota3A, %add3A_437 : vector<16xi32>
    %add3A_439 = arith.constant 16 : i32
    %add3A_440 = vector.broadcast %add3A_439 : i32 to vector<16xi32>
    %add3A_441 = arith.addi %shift_right_arithmetic3A_6, %add3A_440 : vector<16xi32>
    %gather3A_442 = tpu.vector_load_idx %arg9[%broadcast_in_dim3A_7, %add3A_438] : memref<1x512xf32, #tpu.memory_space<vmem>>[vector<16xi32>, vector<16xi32>], vector<16xf32>,
    %gather3A_443 = tpu.vector_load_idx %arg10[%broadcast_in_dim3A_7, %add3A_438] : memref<1x512xf32, #tpu.memory_space<vmem>>[vector<16xi32>, vector<16xi32>], vector<16xf32>,
    tpu.vector_store_idx %arg11[%add3A_441, %and3A_4], %gather3A_442 : memref<128x128xf32, #tpu.memory_space<vmem>>[vector<16xi32>, vector<16xi32>], vector<16xf32>,
    tpu.vector_store_idx %arg12[%add3A_441, %and3A_4], %gather3A_443 : memref<128x128xf32, #tpu.memory_space<vmem>>[vector<16xi32>, vector<16xi32>], vector<16xf32>,
    %add3A_444 = arith.constant 80 : i32
    %add3A_445 = vector.broadcast %add3A_444 : i32 to vector<16xi32>
    %add3A_446 = arith.addi %iota3A, %add3A_445 : vector<16xi32>
    %add3A_447 = arith.constant 20 : i32
    %add3A_448 = vector.broadcast %add3A_447 : i32 to vector<16xi32>
    %add3A_449 = arith.addi %shift_right_arithmetic3A_6, %add3A_448 : vector<16xi32>
    %gather3A_450 = tpu.vector_load_idx %arg9[%broadcast_in_dim3A_7, %add3A_446] : memref<1x512xf32, #tpu.memory_space<vmem>>[vector<16xi32>, vector<16xi32>], vector<16xf32>,
    %gather3A_451 = tpu.vector_load_idx %arg10[%broadcast_in_dim3A_7, %add3A_446] : memref<1x512xf32, #tpu.memory_space<vmem>>[vector<16xi32>, vector<16xi32>], vector<16xf32>,
    tpu.vector_store_idx %arg11[%add3A_449, %and3A_4], %gather3A_450 : memref<128x128xf32, #tpu.memory_space<vmem>>[vector<16xi32>, vector<16xi32>], vector<16xf32>,
    tpu.vector_store_idx %arg12[%add3A_449, %and3A_4], %gather3A_451 : memref<128x128xf32, #tpu.memory_space<vmem>>[vector<16xi32>, vector<16xi32>], vector<16xf32>,
    %add3A_452 = arith.constant 96 : i32
    %add3A_453 = vector.broadcast %add3A_452 : i32 to vector<16xi32>
    %add3A_454 = arith.addi %iota3A, %add3A_453 : vector<16xi32>
    %add3A_455 = arith.constant 24 : i32
    %add3A_456 = vector.broadcast %add3A_455 : i32 to vector<16xi32>
    %add3A_457 = arith.addi %shift_right_arithmetic3A_6, %add3A_456 : vector<16xi32>
    %gather3A_458 = tpu.vector_load_idx %arg9[%broadcast_in_dim3A_7, %add3A_454] : memref<1x512xf32, #tpu.memory_space<vmem>>[vector<16xi32>, vector<16xi32>], vector<16xf32>,
    %gather3A_459 = tpu.vector_load_idx %arg10[%broadcast_in_dim3A_7, %add3A_454] : memref<1x512xf32, #tpu.memory_space<vmem>>[vector<16xi32>, vector<16xi32>], vector<16xf32>,
    tpu.vector_store_idx %arg11[%add3A_457, %and3A_4], %gather3A_458 : memref<128x128xf32, #tpu.memory_space<vmem>>[vector<16xi32>, vector<16xi32>], vector<16xf32>,
    tpu.vector_store_idx %arg12[%add3A_457, %and3A_4], %gather3A_459 : memref<128x128xf32, #tpu.memory_space<vmem>>[vector<16xi32>, vector<16xi32>], vector<16xf32>,
    %add3A_460 = arith.constant 112 : i32
    %add3A_461 = vector.broadcast %add3A_460 : i32 to vector<16xi32>
    %add3A_462 = arith.addi %iota3A, %add3A_461 : vector<16xi32>
    %add3A_463 = arith.constant 28 : i32
    %add3A_464 = vector.broadcast %add3A_463 : i32 to vector<16xi32>
    %add3A_465 = arith.addi %shift_right_arithmetic3A_6, %add3A_464 : vector<16xi32>
    %gather3A_466 = tpu.vector_load_idx %arg9[%broadcast_in_dim3A_7, %add3A_462] : memref<1x512xf32, #tpu.memory_space<vmem>>[vector<16xi32>, vector<16xi32>], vector<16xf32>,
    %gather3A_467 = tpu.vector_load_idx %arg10[%broadcast_in_dim3A_7, %add3A_462] : memref<1x512xf32, #tpu.memory_space<vmem>>[vector<16xi32>, vector<16xi32>], vector<16xf32>,
    tpu.vector_store_idx %arg11[%add3A_465, %and3A_4], %gather3A_466 : memref<128x128xf32, #tpu.memory_space<vmem>>[vector<16xi32>, vector<16xi32>], vector<16xf32>,
    tpu.vector_store_idx %arg12[%add3A_465, %and3A_4], %gather3A_467 : memref<128x128xf32, #tpu.memory_space<vmem>>[vector<16xi32>, vector<16xi32>], vector<16xf32>,
    %add3A_468 = arith.constant 128 : i32
    %add3A_469 = vector.broadcast %add3A_468 : i32 to vector<16xi32>
    %add3A_470 = arith.addi %iota3A, %add3A_469 : vector<16xi32>
    %add3A_471 = arith.constant 32 : i32
    %add3A_472 = vector.broadcast %add3A_471 : i32 to vector<16xi32>
    %add3A_473 = arith.addi %shift_right_arithmetic3A_6, %add3A_472 : vector<16xi32>
    %gather3A_474 = tpu.vector_load_idx %arg9[%broadcast_in_dim3A_7, %add3A_470] : memref<1x512xf32, #tpu.memory_space<vmem>>[vector<16xi32>, vector<16xi32>], vector<16xf32>,
    %gather3A_475 = tpu.vector_load_idx %arg10[%broadcast_in_dim3A_7, %add3A_470] : memref<1x512xf32, #tpu.memory_space<vmem>>[vector<16xi32>, vector<16xi32>], vector<16xf32>,
    tpu.vector_store_idx %arg11[%add3A_473, %and3A_4], %gather3A_474 : memref<128x128xf32, #tpu.memory_space<vmem>>[vector<16xi32>, vector<16xi32>], vector<16xf32>,
    tpu.vector_store_idx %arg12[%add3A_473, %and3A_4], %gather3A_475 : memref<128x128xf32, #tpu.memory_space<vmem>>[vector<16xi32>, vector<16xi32>], vector<16xf32>,
    %add3A_476 = arith.constant 144 : i32
    %add3A_477 = vector.broadcast %add3A_476 : i32 to vector<16xi32>
    %add3A_478 = arith.addi %iota3A, %add3A_477 : vector<16xi32>
    %add3A_479 = arith.constant 36 : i32
    %add3A_480 = vector.broadcast %add3A_479 : i32 to vector<16xi32>
    %add3A_481 = arith.addi %shift_right_arithmetic3A_6, %add3A_480 : vector<16xi32>
    %gather3A_482 = tpu.vector_load_idx %arg9[%broadcast_in_dim3A_7, %add3A_478] : memref<1x512xf32, #tpu.memory_space<vmem>>[vector<16xi32>, vector<16xi32>], vector<16xf32>,
    %gather3A_483 = tpu.vector_load_idx %arg10[%broadcast_in_dim3A_7, %add3A_478] : memref<1x512xf32, #tpu.memory_space<vmem>>[vector<16xi32>, vector<16xi32>], vector<16xf32>,
    tpu.vector_store_idx %arg11[%add3A_481, %and3A_4], %gather3A_482 : memref<128x128xf32, #tpu.memory_space<vmem>>[vector<16xi32>, vector<16xi32>], vector<16xf32>,
    tpu.vector_store_idx %arg12[%add3A_481, %and3A_4], %gather3A_483 : memref<128x128xf32, #tpu.memory_space<vmem>>[vector<16xi32>, vector<16xi32>], vector<16xf32>,
    %add3A_484 = arith.constant 160 : i32
    %add3A_485 = vector.broadcast %add3A_484 : i32 to vector<16xi32>
    %add3A_486 = arith.addi %iota3A, %add3A_485 : vector<16xi32>
    %add3A_487 = arith.constant 40 : i32
    %add3A_488 = vector.broadcast %add3A_487 : i32 to vector<16xi32>
    %add3A_489 = arith.addi %shift_right_arithmetic3A_6, %add3A_488 : vector<16xi32>
    %gather3A_490 = tpu.vector_load_idx %arg9[%broadcast_in_dim3A_7, %add3A_486] : memref<1x512xf32, #tpu.memory_space<vmem>>[vector<16xi32>, vector<16xi32>], vector<16xf32>,
    %gather3A_491 = tpu.vector_load_idx %arg10[%broadcast_in_dim3A_7, %add3A_486] : memref<1x512xf32, #tpu.memory_space<vmem>>[vector<16xi32>, vector<16xi32>], vector<16xf32>,
    tpu.vector_store_idx %arg11[%add3A_489, %and3A_4], %gather3A_490 : memref<128x128xf32, #tpu.memory_space<vmem>>[vector<16xi32>, vector<16xi32>], vector<16xf32>,
    tpu.vector_store_idx %arg12[%add3A_489, %and3A_4], %gather3A_491 : memref<128x128xf32, #tpu.memory_space<vmem>>[vector<16xi32>, vector<16xi32>], vector<16xf32>,
    %add3A_492 = arith.constant 176 : i32
    %add3A_493 = vector.broadcast %add3A_492 : i32 to vector<16xi32>
    %add3A_494 = arith.addi %iota3A, %add3A_493 : vector<16xi32>
    %add3A_495 = arith.constant 44 : i32
    %add3A_496 = vector.broadcast %add3A_495 : i32 to vector<16xi32>
    %add3A_497 = arith.addi %shift_right_arithmetic3A_6, %add3A_496 : vector<16xi32>
    %gather3A_498 = tpu.vector_load_idx %arg9[%broadcast_in_dim3A_7, %add3A_494] : memref<1x512xf32, #tpu.memory_space<vmem>>[vector<16xi32>, vector<16xi32>], vector<16xf32>,
    %gather3A_499 = tpu.vector_load_idx %arg10[%broadcast_in_dim3A_7, %add3A_494] : memref<1x512xf32, #tpu.memory_space<vmem>>[vector<16xi32>, vector<16xi32>], vector<16xf32>,
    tpu.vector_store_idx %arg11[%add3A_497, %and3A_4], %gather3A_498 : memref<128x128xf32, #tpu.memory_space<vmem>>[vector<16xi32>, vector<16xi32>], vector<16xf32>,
    tpu.vector_store_idx %arg12[%add3A_497, %and3A_4], %gather3A_499 : memref<128x128xf32, #tpu.memory_space<vmem>>[vector<16xi32>, vector<16xi32>], vector<16xf32>,
    %add3A_500 = arith.constant 192 : i32
    %add3A_501 = vector.broadcast %add3A_500 : i32 to vector<16xi32>
    %add3A_502 = arith.addi %iota3A, %add3A_501 : vector<16xi32>
    %add3A_503 = arith.constant 48 : i32
    %add3A_504 = vector.broadcast %add3A_503 : i32 to vector<16xi32>
    %add3A_505 = arith.addi %shift_right_arithmetic3A_6, %add3A_504 : vector<16xi32>
    %gather3A_506 = tpu.vector_load_idx %arg9[%broadcast_in_dim3A_7, %add3A_502] : memref<1x512xf32, #tpu.memory_space<vmem>>[vector<16xi32>, vector<16xi32>], vector<16xf32>,
    %gather3A_507 = tpu.vector_load_idx %arg10[%broadcast_in_dim3A_7, %add3A_502] : memref<1x512xf32, #tpu.memory_space<vmem>>[vector<16xi32>, vector<16xi32>], vector<16xf32>,
    tpu.vector_store_idx %arg11[%add3A_505, %and3A_4], %gather3A_506 : memref<128x128xf32, #tpu.memory_space<vmem>>[vector<16xi32>, vector<16xi32>], vector<16xf32>,
    tpu.vector_store_idx %arg12[%add3A_505, %and3A_4], %gather3A_507 : memref<128x128xf32, #tpu.memory_space<vmem>>[vector<16xi32>, vector<16xi32>], vector<16xf32>,
    %add3A_508 = arith.constant 208 : i32
    %add3A_509 = vector.broadcast %add3A_508 : i32 to vector<16xi32>
    %add3A_510 = arith.addi %iota3A, %add3A_509 : vector<16xi32>
    %add3A_511 = arith.constant 52 : i32
    %add3A_512 = vector.broadcast %add3A_511 : i32 to vector<16xi32>
    %add3A_513 = arith.addi %shift_right_arithmetic3A_6, %add3A_512 : vector<16xi32>
    %gather3A_514 = tpu.vector_load_idx %arg9[%broadcast_in_dim3A_7, %add3A_510] : memref<1x512xf32, #tpu.memory_space<vmem>>[vector<16xi32>, vector<16xi32>], vector<16xf32>,
    %gather3A_515 = tpu.vector_load_idx %arg10[%broadcast_in_dim3A_7, %add3A_510] : memref<1x512xf32, #tpu.memory_space<vmem>>[vector<16xi32>, vector<16xi32>], vector<16xf32>,
    tpu.vector_store_idx %arg11[%add3A_513, %and3A_4], %gather3A_514 : memref<128x128xf32, #tpu.memory_space<vmem>>[vector<16xi32>, vector<16xi32>], vector<16xf32>,
    tpu.vector_store_idx %arg12[%add3A_513, %and3A_4], %gather3A_515 : memref<128x128xf32, #tpu.memory_space<vmem>>[vector<16xi32>, vector<16xi32>], vector<16xf32>,
    %add3A_516 = arith.constant 224 : i32
    %add3A_517 = vector.broadcast %add3A_516 : i32 to vector<16xi32>
    %add3A_518 = arith.addi %iota3A, %add3A_517 : vector<16xi32>
    %add3A_519 = arith.constant 56 : i32
    %add3A_520 = vector.broadcast %add3A_519 : i32 to vector<16xi32>
    %add3A_521 = arith.addi %shift_right_arithmetic3A_6, %add3A_520 : vector<16xi32>
    %gather3A_522 = tpu.vector_load_idx %arg9[%broadcast_in_dim3A_7, %add3A_518] : memref<1x512xf32, #tpu.memory_space<vmem>>[vector<16xi32>, vector<16xi32>], vector<16xf32>,
    %gather3A_523 = tpu.vector_load_idx %arg10[%broadcast_in_dim3A_7, %add3A_518] : memref<1x512xf32, #tpu.memory_space<vmem>>[vector<16xi32>, vector<16xi32>], vector<16xf32>,
    tpu.vector_store_idx %arg11[%add3A_521, %and3A_4], %gather3A_522 : memref<128x128xf32, #tpu.memory_space<vmem>>[vector<16xi32>, vector<16xi32>], vector<16xf32>,
    tpu.vector_store_idx %arg12[%add3A_521, %and3A_4], %gather3A_523 : memref<128x128xf32, #tpu.memory_space<vmem>>[vector<16xi32>, vector<16xi32>], vector<16xf32>,
    %add3A_524 = arith.constant 240 : i32
    %add3A_525 = vector.broadcast %add3A_524 : i32 to vector<16xi32>
    %add3A_526 = arith.addi %iota3A, %add3A_525 : vector<16xi32>
    %add3A_527 = arith.constant 60 : i32
    %add3A_528 = vector.broadcast %add3A_527 : i32 to vector<16xi32>
    %add3A_529 = arith.addi %shift_right_arithmetic3A_6, %add3A_528 : vector<16xi32>
    %gather3A_530 = tpu.vector_load_idx %arg9[%broadcast_in_dim3A_7, %add3A_526] : memref<1x512xf32, #tpu.memory_space<vmem>>[vector<16xi32>, vector<16xi32>], vector<16xf32>,
    %gather3A_531 = tpu.vector_load_idx %arg10[%broadcast_in_dim3A_7, %add3A_526] : memref<1x512xf32, #tpu.memory_space<vmem>>[vector<16xi32>, vector<16xi32>], vector<16xf32>,
    tpu.vector_store_idx %arg11[%add3A_529, %and3A_4], %gather3A_530 : memref<128x128xf32, #tpu.memory_space<vmem>>[vector<16xi32>, vector<16xi32>], vector<16xf32>,
    tpu.vector_store_idx %arg12[%add3A_529, %and3A_4], %gather3A_531 : memref<128x128xf32, #tpu.memory_space<vmem>>[vector<16xi32>, vector<16xi32>], vector<16xf32>,
    %add3A_532 = arith.constant 256 : i32
    %add3A_533 = vector.broadcast %add3A_532 : i32 to vector<16xi32>
    %add3A_534 = arith.addi %iota3A, %add3A_533 : vector<16xi32>
    %add3A_535 = arith.constant 64 : i32
    %add3A_536 = vector.broadcast %add3A_535 : i32 to vector<16xi32>
    %add3A_537 = arith.addi %shift_right_arithmetic3A_6, %add3A_536 : vector<16xi32>
    %gather3A_538 = tpu.vector_load_idx %arg9[%broadcast_in_dim3A_7, %add3A_534] : memref<1x512xf32, #tpu.memory_space<vmem>>[vector<16xi32>, vector<16xi32>], vector<16xf32>,
    %gather3A_539 = tpu.vector_load_idx %arg10[%broadcast_in_dim3A_7, %add3A_534] : memref<1x512xf32, #tpu.memory_space<vmem>>[vector<16xi32>, vector<16xi32>], vector<16xf32>,
    tpu.vector_store_idx %arg11[%add3A_537, %and3A_4], %gather3A_538 : memref<128x128xf32, #tpu.memory_space<vmem>>[vector<16xi32>, vector<16xi32>], vector<16xf32>,
    tpu.vector_store_idx %arg12[%add3A_537, %and3A_4], %gather3A_539 : memref<128x128xf32, #tpu.memory_space<vmem>>[vector<16xi32>, vector<16xi32>], vector<16xf32>,
    %add3A_540 = arith.constant 272 : i32
    %add3A_541 = vector.broadcast %add3A_540 : i32 to vector<16xi32>
    %add3A_542 = arith.addi %iota3A, %add3A_541 : vector<16xi32>
    %add3A_543 = arith.constant 68 : i32
    %add3A_544 = vector.broadcast %add3A_543 : i32 to vector<16xi32>
    %add3A_545 = arith.addi %shift_right_arithmetic3A_6, %add3A_544 : vector<16xi32>
    %gather3A_546 = tpu.vector_load_idx %arg9[%broadcast_in_dim3A_7, %add3A_542] : memref<1x512xf32, #tpu.memory_space<vmem>>[vector<16xi32>, vector<16xi32>], vector<16xf32>,
    %gather3A_547 = tpu.vector_load_idx %arg10[%broadcast_in_dim3A_7, %add3A_542] : memref<1x512xf32, #tpu.memory_space<vmem>>[vector<16xi32>, vector<16xi32>], vector<16xf32>,
    tpu.vector_store_idx %arg11[%add3A_545, %and3A_4], %gather3A_546 : memref<128x128xf32, #tpu.memory_space<vmem>>[vector<16xi32>, vector<16xi32>], vector<16xf32>,
    tpu.vector_store_idx %arg12[%add3A_545, %and3A_4], %gather3A_547 : memref<128x128xf32, #tpu.memory_space<vmem>>[vector<16xi32>, vector<16xi32>], vector<16xf32>,
    %add3A_548 = arith.constant 288 : i32
    %add3A_549 = vector.broadcast %add3A_548 : i32 to vector<16xi32>
    %add3A_550 = arith.addi %iota3A, %add3A_549 : vector<16xi32>
    %add3A_551 = arith.constant 72 : i32
    %add3A_552 = vector.broadcast %add3A_551 : i32 to vector<16xi32>
    %add3A_553 = arith.addi %shift_right_arithmetic3A_6, %add3A_552 : vector<16xi32>
    %gather3A_554 = tpu.vector_load_idx %arg9[%broadcast_in_dim3A_7, %add3A_550] : memref<1x512xf32, #tpu.memory_space<vmem>>[vector<16xi32>, vector<16xi32>], vector<16xf32>,
    %gather3A_555 = tpu.vector_load_idx %arg10[%broadcast_in_dim3A_7, %add3A_550] : memref<1x512xf32, #tpu.memory_space<vmem>>[vector<16xi32>, vector<16xi32>], vector<16xf32>,
    tpu.vector_store_idx %arg11[%add3A_553, %and3A_4], %gather3A_554 : memref<128x128xf32, #tpu.memory_space<vmem>>[vector<16xi32>, vector<16xi32>], vector<16xf32>,
    tpu.vector_store_idx %arg12[%add3A_553, %and3A_4], %gather3A_555 : memref<128x128xf32, #tpu.memory_space<vmem>>[vector<16xi32>, vector<16xi32>], vector<16xf32>,
    %add3A_556 = arith.constant 304 : i32
    %add3A_557 = vector.broadcast %add3A_556 : i32 to vector<16xi32>
    %add3A_558 = arith.addi %iota3A, %add3A_557 : vector<16xi32>
    %add3A_559 = arith.constant 76 : i32
    %add3A_560 = vector.broadcast %add3A_559 : i32 to vector<16xi32>
    %add3A_561 = arith.addi %shift_right_arithmetic3A_6, %add3A_560 : vector<16xi32>
    %gather3A_562 = tpu.vector_load_idx %arg9[%broadcast_in_dim3A_7, %add3A_558] : memref<1x512xf32, #tpu.memory_space<vmem>>[vector<16xi32>, vector<16xi32>], vector<16xf32>,
    %gather3A_563 = tpu.vector_load_idx %arg10[%broadcast_in_dim3A_7, %add3A_558] : memref<1x512xf32, #tpu.memory_space<vmem>>[vector<16xi32>, vector<16xi32>], vector<16xf32>,
    tpu.vector_store_idx %arg11[%add3A_561, %and3A_4], %gather3A_562 : memref<128x128xf32, #tpu.memory_space<vmem>>[vector<16xi32>, vector<16xi32>], vector<16xf32>,
    tpu.vector_store_idx %arg12[%add3A_561, %and3A_4], %gather3A_563 : memref<128x128xf32, #tpu.memory_space<vmem>>[vector<16xi32>, vector<16xi32>], vector<16xf32>,
    %add3A_564 = arith.constant 320 : i32
    %add3A_565 = vector.broadcast %add3A_564 : i32 to vector<16xi32>
    %add3A_566 = arith.addi %iota3A, %add3A_565 : vector<16xi32>
    %add3A_567 = arith.constant 80 : i32
    %add3A_568 = vector.broadcast %add3A_567 : i32 to vector<16xi32>
    %add3A_569 = arith.addi %shift_right_arithmetic3A_6, %add3A_568 : vector<16xi32>
    %gather3A_570 = tpu.vector_load_idx %arg9[%broadcast_in_dim3A_7, %add3A_566] : memref<1x512xf32, #tpu.memory_space<vmem>>[vector<16xi32>, vector<16xi32>], vector<16xf32>,
    %gather3A_571 = tpu.vector_load_idx %arg10[%broadcast_in_dim3A_7, %add3A_566] : memref<1x512xf32, #tpu.memory_space<vmem>>[vector<16xi32>, vector<16xi32>], vector<16xf32>,
    tpu.vector_store_idx %arg11[%add3A_569, %and3A_4], %gather3A_570 : memref<128x128xf32, #tpu.memory_space<vmem>>[vector<16xi32>, vector<16xi32>], vector<16xf32>,
    tpu.vector_store_idx %arg12[%add3A_569, %and3A_4], %gather3A_571 : memref<128x128xf32, #tpu.memory_space<vmem>>[vector<16xi32>, vector<16xi32>], vector<16xf32>,
    %add3A_572 = arith.constant 336 : i32
    %add3A_573 = vector.broadcast %add3A_572 : i32 to vector<16xi32>
    %add3A_574 = arith.addi %iota3A, %add3A_573 : vector<16xi32>
    %add3A_575 = arith.constant 84 : i32
    %add3A_576 = vector.broadcast %add3A_575 : i32 to vector<16xi32>
    %add3A_577 = arith.addi %shift_right_arithmetic3A_6, %add3A_576 : vector<16xi32>
    %gather3A_578 = tpu.vector_load_idx %arg9[%broadcast_in_dim3A_7, %add3A_574] : memref<1x512xf32, #tpu.memory_space<vmem>>[vector<16xi32>, vector<16xi32>], vector<16xf32>,
    %gather3A_579 = tpu.vector_load_idx %arg10[%broadcast_in_dim3A_7, %add3A_574] : memref<1x512xf32, #tpu.memory_space<vmem>>[vector<16xi32>, vector<16xi32>], vector<16xf32>,
    tpu.vector_store_idx %arg11[%add3A_577, %and3A_4], %gather3A_578 : memref<128x128xf32, #tpu.memory_space<vmem>>[vector<16xi32>, vector<16xi32>], vector<16xf32>,
    tpu.vector_store_idx %arg12[%add3A_577, %and3A_4], %gather3A_579 : memref<128x128xf32, #tpu.memory_space<vmem>>[vector<16xi32>, vector<16xi32>], vector<16xf32>,
    %add3A_580 = arith.constant 352 : i32
    %add3A_581 = vector.broadcast %add3A_580 : i32 to vector<16xi32>
    %add3A_582 = arith.addi %iota3A, %add3A_581 : vector<16xi32>
    %add3A_583 = arith.constant 88 : i32
    %add3A_584 = vector.broadcast %add3A_583 : i32 to vector<16xi32>
    %add3A_585 = arith.addi %shift_right_arithmetic3A_6, %add3A_584 : vector<16xi32>
    %gather3A_586 = tpu.vector_load_idx %arg9[%broadcast_in_dim3A_7, %add3A_582] : memref<1x512xf32, #tpu.memory_space<vmem>>[vector<16xi32>, vector<16xi32>], vector<16xf32>,
    %gather3A_587 = tpu.vector_load_idx %arg10[%broadcast_in_dim3A_7, %add3A_582] : memref<1x512xf32, #tpu.memory_space<vmem>>[vector<16xi32>, vector<16xi32>], vector<16xf32>,
    tpu.vector_store_idx %arg11[%add3A_585, %and3A_4], %gather3A_586 : memref<128x128xf32, #tpu.memory_space<vmem>>[vector<16xi32>, vector<16xi32>], vector<16xf32>,
    tpu.vector_store_idx %arg12[%add3A_585, %and3A_4], %gather3A_587 : memref<128x128xf32, #tpu.memory_space<vmem>>[vector<16xi32>, vector<16xi32>], vector<16xf32>,
    %add3A_588 = arith.constant 368 : i32
    %add3A_589 = vector.broadcast %add3A_588 : i32 to vector<16xi32>
    %add3A_590 = arith.addi %iota3A, %add3A_589 : vector<16xi32>
    %add3A_591 = arith.constant 92 : i32
    %add3A_592 = vector.broadcast %add3A_591 : i32 to vector<16xi32>
    %add3A_593 = arith.addi %shift_right_arithmetic3A_6, %add3A_592 : vector<16xi32>
    %gather3A_594 = tpu.vector_load_idx %arg9[%broadcast_in_dim3A_7, %add3A_590] : memref<1x512xf32, #tpu.memory_space<vmem>>[vector<16xi32>, vector<16xi32>], vector<16xf32>,
    %gather3A_595 = tpu.vector_load_idx %arg10[%broadcast_in_dim3A_7, %add3A_590] : memref<1x512xf32, #tpu.memory_space<vmem>>[vector<16xi32>, vector<16xi32>], vector<16xf32>,
    tpu.vector_store_idx %arg11[%add3A_593, %and3A_4], %gather3A_594 : memref<128x128xf32, #tpu.memory_space<vmem>>[vector<16xi32>, vector<16xi32>], vector<16xf32>,
    tpu.vector_store_idx %arg12[%add3A_593, %and3A_4], %gather3A_595 : memref<128x128xf32, #tpu.memory_space<vmem>>[vector<16xi32>, vector<16xi32>], vector<16xf32>,
    %add3A_596 = arith.constant 384 : i32
    %add3A_597 = vector.broadcast %add3A_596 : i32 to vector<16xi32>
    %add3A_598 = arith.addi %iota3A, %add3A_597 : vector<16xi32>
    %add3A_599 = arith.constant 96 : i32
    %add3A_600 = vector.broadcast %add3A_599 : i32 to vector<16xi32>
    %add3A_601 = arith.addi %shift_right_arithmetic3A_6, %add3A_600 : vector<16xi32>
    %gather3A_602 = tpu.vector_load_idx %arg9[%broadcast_in_dim3A_7, %add3A_598] : memref<1x512xf32, #tpu.memory_space<vmem>>[vector<16xi32>, vector<16xi32>], vector<16xf32>,
    %gather3A_603 = tpu.vector_load_idx %arg10[%broadcast_in_dim3A_7, %add3A_598] : memref<1x512xf32, #tpu.memory_space<vmem>>[vector<16xi32>, vector<16xi32>], vector<16xf32>,
    tpu.vector_store_idx %arg11[%add3A_601, %and3A_4], %gather3A_602 : memref<128x128xf32, #tpu.memory_space<vmem>>[vector<16xi32>, vector<16xi32>], vector<16xf32>,
    tpu.vector_store_idx %arg12[%add3A_601, %and3A_4], %gather3A_603 : memref<128x128xf32, #tpu.memory_space<vmem>>[vector<16xi32>, vector<16xi32>], vector<16xf32>,
    %add3A_604 = arith.constant 400 : i32
    %add3A_605 = vector.broadcast %add3A_604 : i32 to vector<16xi32>
    %add3A_606 = arith.addi %iota3A, %add3A_605 : vector<16xi32>
    %add3A_607 = arith.constant 100 : i32
    %add3A_608 = vector.broadcast %add3A_607 : i32 to vector<16xi32>
    %add3A_609 = arith.addi %shift_right_arithmetic3A_6, %add3A_608 : vector<16xi32>
    %gather3A_610 = tpu.vector_load_idx %arg9[%broadcast_in_dim3A_7, %add3A_606] : memref<1x512xf32, #tpu.memory_space<vmem>>[vector<16xi32>, vector<16xi32>], vector<16xf32>,
    %gather3A_611 = tpu.vector_load_idx %arg10[%broadcast_in_dim3A_7, %add3A_606] : memref<1x512xf32, #tpu.memory_space<vmem>>[vector<16xi32>, vector<16xi32>], vector<16xf32>,
    tpu.vector_store_idx %arg11[%add3A_609, %and3A_4], %gather3A_610 : memref<128x128xf32, #tpu.memory_space<vmem>>[vector<16xi32>, vector<16xi32>], vector<16xf32>,
    tpu.vector_store_idx %arg12[%add3A_609, %and3A_4], %gather3A_611 : memref<128x128xf32, #tpu.memory_space<vmem>>[vector<16xi32>, vector<16xi32>], vector<16xf32>,
    %add3A_612 = arith.constant 416 : i32
    %add3A_613 = vector.broadcast %add3A_612 : i32 to vector<16xi32>
    %add3A_614 = arith.addi %iota3A, %add3A_613 : vector<16xi32>
    %add3A_615 = arith.constant 104 : i32
    %add3A_616 = vector.broadcast %add3A_615 : i32 to vector<16xi32>
    %add3A_617 = arith.addi %shift_right_arithmetic3A_6, %add3A_616 : vector<16xi32>
    %gather3A_618 = tpu.vector_load_idx %arg9[%broadcast_in_dim3A_7, %add3A_614] : memref<1x512xf32, #tpu.memory_space<vmem>>[vector<16xi32>, vector<16xi32>], vector<16xf32>,
    %gather3A_619 = tpu.vector_load_idx %arg10[%broadcast_in_dim3A_7, %add3A_614] : memref<1x512xf32, #tpu.memory_space<vmem>>[vector<16xi32>, vector<16xi32>], vector<16xf32>,
    tpu.vector_store_idx %arg11[%add3A_617, %and3A_4], %gather3A_618 : memref<128x128xf32, #tpu.memory_space<vmem>>[vector<16xi32>, vector<16xi32>], vector<16xf32>,
    tpu.vector_store_idx %arg12[%add3A_617, %and3A_4], %gather3A_619 : memref<128x128xf32, #tpu.memory_space<vmem>>[vector<16xi32>, vector<16xi32>], vector<16xf32>,
    %add3A_620 = arith.constant 432 : i32
    %add3A_621 = vector.broadcast %add3A_620 : i32 to vector<16xi32>
    %add3A_622 = arith.addi %iota3A, %add3A_621 : vector<16xi32>
    %add3A_623 = arith.constant 108 : i32
    %add3A_624 = vector.broadcast %add3A_623 : i32 to vector<16xi32>
    %add3A_625 = arith.addi %shift_right_arithmetic3A_6, %add3A_624 : vector<16xi32>
    %gather3A_626 = tpu.vector_load_idx %arg9[%broadcast_in_dim3A_7, %add3A_622] : memref<1x512xf32, #tpu.memory_space<vmem>>[vector<16xi32>, vector<16xi32>], vector<16xf32>,
    %gather3A_627 = tpu.vector_load_idx %arg10[%broadcast_in_dim3A_7, %add3A_622] : memref<1x512xf32, #tpu.memory_space<vmem>>[vector<16xi32>, vector<16xi32>], vector<16xf32>,
    tpu.vector_store_idx %arg11[%add3A_625, %and3A_4], %gather3A_626 : memref<128x128xf32, #tpu.memory_space<vmem>>[vector<16xi32>, vector<16xi32>], vector<16xf32>,
    tpu.vector_store_idx %arg12[%add3A_625, %and3A_4], %gather3A_627 : memref<128x128xf32, #tpu.memory_space<vmem>>[vector<16xi32>, vector<16xi32>], vector<16xf32>,
    %add3A_628 = arith.constant 448 : i32
    %add3A_629 = vector.broadcast %add3A_628 : i32 to vector<16xi32>
    %add3A_630 = arith.addi %iota3A, %add3A_629 : vector<16xi32>
    %add3A_631 = arith.constant 112 : i32
    %add3A_632 = vector.broadcast %add3A_631 : i32 to vector<16xi32>
    %add3A_633 = arith.addi %shift_right_arithmetic3A_6, %add3A_632 : vector<16xi32>
    %gather3A_634 = tpu.vector_load_idx %arg9[%broadcast_in_dim3A_7, %add3A_630] : memref<1x512xf32, #tpu.memory_space<vmem>>[vector<16xi32>, vector<16xi32>], vector<16xf32>,
    %gather3A_635 = tpu.vector_load_idx %arg10[%broadcast_in_dim3A_7, %add3A_630] : memref<1x512xf32, #tpu.memory_space<vmem>>[vector<16xi32>, vector<16xi32>], vector<16xf32>,
    tpu.vector_store_idx %arg11[%add3A_633, %and3A_4], %gather3A_634 : memref<128x128xf32, #tpu.memory_space<vmem>>[vector<16xi32>, vector<16xi32>], vector<16xf32>,
    tpu.vector_store_idx %arg12[%add3A_633, %and3A_4], %gather3A_635 : memref<128x128xf32, #tpu.memory_space<vmem>>[vector<16xi32>, vector<16xi32>], vector<16xf32>,
    %add3A_636 = arith.constant 464 : i32
    %add3A_637 = vector.broadcast %add3A_636 : i32 to vector<16xi32>
    %add3A_638 = arith.addi %iota3A, %add3A_637 : vector<16xi32>
    %add3A_639 = arith.constant 116 : i32
    %add3A_640 = vector.broadcast %add3A_639 : i32 to vector<16xi32>
    %add3A_641 = arith.addi %shift_right_arithmetic3A_6, %add3A_640 : vector<16xi32>
    %gather3A_642 = tpu.vector_load_idx %arg9[%broadcast_in_dim3A_7, %add3A_638] : memref<1x512xf32, #tpu.memory_space<vmem>>[vector<16xi32>, vector<16xi32>], vector<16xf32>,
    %gather3A_643 = tpu.vector_load_idx %arg10[%broadcast_in_dim3A_7, %add3A_638] : memref<1x512xf32, #tpu.memory_space<vmem>>[vector<16xi32>, vector<16xi32>], vector<16xf32>,
    tpu.vector_store_idx %arg11[%add3A_641, %and3A_4], %gather3A_642 : memref<128x128xf32, #tpu.memory_space<vmem>>[vector<16xi32>, vector<16xi32>], vector<16xf32>,
    tpu.vector_store_idx %arg12[%add3A_641, %and3A_4], %gather3A_643 : memref<128x128xf32, #tpu.memory_space<vmem>>[vector<16xi32>, vector<16xi32>], vector<16xf32>,
    %add3A_644 = arith.constant 480 : i32
    %add3A_645 = vector.broadcast %add3A_644 : i32 to vector<16xi32>
    %add3A_646 = arith.addi %iota3A, %add3A_645 : vector<16xi32>
    %add3A_647 = arith.constant 120 : i32
    %add3A_648 = vector.broadcast %add3A_647 : i32 to vector<16xi32>
    %add3A_649 = arith.addi %shift_right_arithmetic3A_6, %add3A_648 : vector<16xi32>
    %gather3A_650 = tpu.vector_load_idx %arg9[%broadcast_in_dim3A_7, %add3A_646] : memref<1x512xf32, #tpu.memory_space<vmem>>[vector<16xi32>, vector<16xi32>], vector<16xf32>,
    %gather3A_651 = tpu.vector_load_idx %arg10[%broadcast_in_dim3A_7, %add3A_646] : memref<1x512xf32, #tpu.memory_space<vmem>>[vector<16xi32>, vector<16xi32>], vector<16xf32>,
    tpu.vector_store_idx %arg11[%add3A_649, %and3A_4], %gather3A_650 : memref<128x128xf32, #tpu.memory_space<vmem>>[vector<16xi32>, vector<16xi32>], vector<16xf32>,
    tpu.vector_store_idx %arg12[%add3A_649, %and3A_4], %gather3A_651 : memref<128x128xf32, #tpu.memory_space<vmem>>[vector<16xi32>, vector<16xi32>], vector<16xf32>,
    %add3A_652 = arith.constant 496 : i32
    %add3A_653 = vector.broadcast %add3A_652 : i32 to vector<16xi32>
    %add3A_654 = arith.addi %iota3A, %add3A_653 : vector<16xi32>
    %add3A_655 = arith.constant 124 : i32
    %add3A_656 = vector.broadcast %add3A_655 : i32 to vector<16xi32>
    %add3A_657 = arith.addi %shift_right_arithmetic3A_6, %add3A_656 : vector<16xi32>
    %gather3A_658 = tpu.vector_load_idx %arg9[%broadcast_in_dim3A_7, %add3A_654] : memref<1x512xf32, #tpu.memory_space<vmem>>[vector<16xi32>, vector<16xi32>], vector<16xf32>,
    %gather3A_659 = tpu.vector_load_idx %arg10[%broadcast_in_dim3A_7, %add3A_654] : memref<1x512xf32, #tpu.memory_space<vmem>>[vector<16xi32>, vector<16xi32>], vector<16xf32>,
    tpu.vector_store_idx %arg11[%add3A_657, %and3A_4], %gather3A_658 : memref<128x128xf32, #tpu.memory_space<vmem>>[vector<16xi32>, vector<16xi32>], vector<16xf32>,
    tpu.vector_store_idx %arg12[%add3A_657, %and3A_4], %gather3A_659 : memref<128x128xf32, #tpu.memory_space<vmem>>[vector<16xi32>, vector<16xi32>], vector<16xf32>,
    "tpu.region"() ({
      %run_scoped3A = tpu.sem_alloc : memref<!tpu.dma_semaphore, #tpu.memory_space<semaphore_mem>>
      %dma_start3A_660 = arith.constant 0 : i32
      %dma_start3A_661 = tpu.memref_slice %arg5[%mul3A_2, %dma_start3A_660] : memref<4096x128xf32, #tpu.memory_space<hbm>> -> memref<128x128xf32, #tpu.memory_space<hbm>>
      %dma_start3A_662 = arith.constant 0 : i32
      %dma_start3A_663 = tpu.memref_slice %arg5[%mul3A_2, %dma_start3A_662] : memref<4096x128xf32, #tpu.memory_space<hbm>> -> memref<128x128xf32, #tpu.memory_space<hbm>>
      tpu.enqueue_dma source(%arg11 : memref<128x128xf32, #tpu.memory_space<vmem>>) target(%dma_start3A_663 : memref<128x128xf32, #tpu.memory_space<hbm>>) target_semaphore(%run_scoped3A : memref<!tpu.dma_semaphore, #tpu.memory_space<semaphore_mem>>)
      %dma_wait3A_664 = arith.constant 0 : i32
      %dma_wait3A_665 = tpu.memref_slice %arg5[%mul3A_2, %dma_wait3A_664] : memref<4096x128xf32, #tpu.memory_space<hbm>> -> memref<128x128xf32, #tpu.memory_space<hbm>>
      %dma_wait3A_666 = arith.constant 0 : i32
      %dma_wait3A_667 = tpu.memref_slice %arg5[%mul3A_2, %dma_wait3A_666] : memref<4096x128xf32, #tpu.memory_space<hbm>> -> memref<128x128xf32, #tpu.memory_space<hbm>>
      tpu.wait_dma2 semaphore(%run_scoped3A : memref<!tpu.dma_semaphore, #tpu.memory_space<semaphore_mem>>) src(%arg11 : memref<128x128xf32, #tpu.memory_space<vmem>>) dst(%dma_wait3A_667 : memref<128x128xf32, #tpu.memory_space<hbm>>)
      tpu.yield
    }) : () -> ()
    "tpu.region"() ({
      %run_scoped3A = tpu.sem_alloc : memref<!tpu.dma_semaphore, #tpu.memory_space<semaphore_mem>>
      %dma_start3A_660 = arith.constant 0 : i32
      %dma_start3A_661 = tpu.memref_slice %arg6[%mul3A_2, %dma_start3A_660] : memref<4096x128xf32, #tpu.memory_space<hbm>> -> memref<128x128xf32, #tpu.memory_space<hbm>>
      %dma_start3A_662 = arith.constant 0 : i32
      %dma_start3A_663 = tpu.memref_slice %arg6[%mul3A_2, %dma_start3A_662] : memref<4096x128xf32, #tpu.memory_space<hbm>> -> memref<128x128xf32, #tpu.memory_space<hbm>>
      tpu.enqueue_dma source(%arg12 : memref<128x128xf32, #tpu.memory_space<vmem>>) target(%dma_start3A_663 : memref<128x128xf32, #tpu.memory_space<hbm>>) target_semaphore(%run_scoped3A : memref<!tpu.dma_semaphore, #tpu.memory_space<semaphore_mem>>)
      %dma_wait3A_664 = arith.constant 0 : i32
      %dma_wait3A_665 = tpu.memref_slice %arg6[%mul3A_2, %dma_wait3A_664] : memref<4096x128xf32, #tpu.memory_space<hbm>> -> memref<128x128xf32, #tpu.memory_space<hbm>>
      %dma_wait3A_666 = arith.constant 0 : i32
      %dma_wait3A_667 = tpu.memref_slice %arg6[%mul3A_2, %dma_wait3A_666] : memref<4096x128xf32, #tpu.memory_space<hbm>> -> memref<128x128xf32, #tpu.memory_space<hbm>>
      tpu.wait_dma2 semaphore(%run_scoped3A : memref<!tpu.dma_semaphore, #tpu.memory_space<semaphore_mem>>) src(%arg12 : memref<128x128xf32, #tpu.memory_space<vmem>>) dst(%dma_wait3A_667 : memref<128x128xf32, #tpu.memory_space<hbm>>)
      tpu.yield
    }) : () -> ()
    return
  }
}

</mosaic_0001>

<sc_bundles>
// kernel: _sc_gather.3.cloned.1.call-start
scs
__scs_entry_jumppad:
0x0: {  	(pc) =	sbr.rel $0x88, $3  }
0x1: {  	(tag) =	ssettag $0x0;
	lr =	simm.s32 $0x1  }
0x2: {  	[smem:$0x3F9E] =	sst lr;
	_ =	strace $0xD0000000  }
0x3: {  	_ = 	snop  }
0x4: {  	_ = 	snop  }
0x5: {  	_ = 	snop  }
0x6: {  	_ = 	snop  }
0x7: {  	_ = 	snop  }
__scs_overlays_trampoline_lowered:
0x8: {  	[smem:$0x3FAD] =	sst s0  }
0x9: {  	[smem:$0x3FAE] =	sst s1  }
0xa: {  	[smem:$0x3FAF] =	sst s2  }
0xb: {  	[smem:$0x3FB0] =	sst s3  }
0xc: {  	[smem:$0x3FB1] =	sst s4  }
0xd: {  	[smem:$0x3FB2] =	sst s5  }
0xe: {  	[smem:$0x3FB3] =	sst s6  }
0xf: {  	[smem:$0x3FB4] =	sst s7  }
0x10: {  	[smem:$0x3FB5] =	sst s8  }
0x11: {  	[smem:$0x3FB6] =	sst s9;
	s0 =	simm.s32 @!p0 $0x0  }
0x12: {  	s1 =	sld [smem:$0x3F9C];
	s0 =	simm.s32 @p0 $0x1  }
0x13: {  	[smem:$0x3FB7] =	sst s0;
	s0 =	simm.s32 @!p1 $0x0  }
0x14: {  	s2 =	sld [smem:$0x3F9B];
	s0 =	simm.s32 @p1 $0x1  }
0x15: {  	[smem:$0x3FB8] =	sst s0;
	s0 =	simm.s32 @!p2 $0x0  }
0x16: {  	s3 =	sld [smem:$0x3FDB];
	s0 =	simm.s32 @p2 $0x1  }
0x17: {  	s4 =	simm.s32 $0x1BF5;
	[smem:$0x3FBA] =	sst s0  }
0x18: {  	s0 =	sld [smem:$0x3F9D];
	_ =	swait.ge [sflag:s4], $0x0  }
0x19: {  	s7 =	sld [smem:$0x3F9E]  }
0x1a: {  	s8 =	sadd.s32 $0xFFFFE003, lr  }
0x1b: {  	s9 =	sadd.s32 $0xFFFFFEF7, lr;
	s5 =	simm.s32 $0xFFFFFFFF;
	p2 =	slt.u32 s8, $0xFFFFF086  }
0x1c: {  	p1 =	slt.u32 s9, $0xF7A;
	s5 =	simm.s32 @!p2 $0x0  }
0x1d: {  	s5 =	simm.s32 @p1 $0x1;
	p0 =	seq.s32 s7, s2  }
0x1e: {  	s7 =	smul.u32 @!p0 $0xF7A, s2;
	p2 =	seq.s32 @!p0 s5, $0x0  }
0x1f: {  	s9 =	smul.u32 $0xF7A, s1;
	s8 =	simm.s32 @!p0 $0x1BF5;
	p2 =	por !p2, p0  }
0x20: {  	[sflag:s8] =	ssyncset.s32 @!p0 $0xFFFFF086;
	s6 =	sadd.s32 @!p0 s3, s7;
	s7 =	simm.s32 @!p0 $0x108  }
0x21: {  	s3 =	sadd.s32 s3, s9;
	s6 =	sadd.s32 @!p0 $0x88, s6;
	s7 =	simm.s32 @p2 $0x1082  }
0x22: {  	[simem:s7], [sflag:s8] =	dma.local @!p0 [hbm:s6], $0xF7A  }
0x23: {  	s9 =	sor.u32 $0xD0000000, s2;
	s6 =	simm.s32 $0x108;
	_ =	swait.ge @!p0 [sflag:s8], $0x0  }
0x24: {  	s3 =	sadd.s32 $0x88, s3;
	s6 =	simm.s32 @!p1 $0x1082;
	[sflag:s4] =	ssyncset.s32 $0xFFFFF086  }
0x25: {  	[simem:s6], [sflag:s4] =	dma.local [hbm:s3], $0xF7A  }
0x26: {  	[smem:$0x3F9E] =	sst s1;
	(tag) =	ssettag s2;
	_ =	strace s9  }
0x27: {  	s1 =	sld [smem:$0x3FAE]  }
0x28: {  	s2 =	sld [smem:$0x3FAF]  }
0x29: {  	s4 =	sld [smem:$0x3FB1]  }
0x2a: {  	p0 =	seq.s32 s5, $0x0;
	s5 =	sld [smem:$0x3FB2]  }
0x2b: {  	s6 =	sld [smem:$0x3FB3]  }
0x2c: {  	s7 =	sld [smem:$0x3FB4]  }
0x2d: {  	s3 =	simm.s32 $0x108;
	s8 =	sld [smem:$0x3FB5]  }
0x2e: {  	s3 =	simm.s32 @!p0 $0x1082;
	s9 =	sld [smem:$0x3FB6]  }
0x2f: {  	lr =	sadd.s32 s0, s3;
	s0 =	sld [smem:$0x3FAD]  }
0x30: {  	s3 =	sld [smem:$0x3FB0]  }
0x31: {  	[smem:$0x3FB9] =	sst s10  }
0x32: {  	s10 =	sld [smem:$0x3FB7];
	_ =	sdelay $0x3  }
0x33: {  	p0 =	seq.s32 s10, $0x1;
	s10 =	sld [smem:$0x3FB9];
	_ =	sdelay $0x3  }
0x34: {  	[smem:$0x3FB9] =	sst s10  }
0x35: {  	s10 =	sld [smem:$0x3FB8];
	_ =	sdelay $0x3  }
0x36: {  	p1 =	seq.s32 s10, $0x1;
	s10 =	sld [smem:$0x3FB9];
	_ =	sdelay $0x3  }
0x37: {  	[smem:$0x3FB9] =	sst s10  }
0x38: {  	s10 =	sld [smem:$0x3FBA]  }
0x39: {  	_ = 	snop;
	(pc) =	sbr.ind lr, $3  }
0x3a: {  	_ = 	snop  }
0x3b: {  	_ = 	snop  }
0x3c: {  	p2 =	seq.s32 s10, $0x1;
	s10 =	sld [smem:$0x3FB9]  }
0x3d: {  	_ =	shalt  }
0x3e: {  	_ =	shalt  }
0x3f: {  	_ =	shalt  }
0x40: {  	_ =	shalt  }
0x41: {  	_ =	shalt  }
0x42: {  	_ =	shalt  }
0x43: {  	_ =	shalt  }
0x44: {  	_ =	shalt  }
0x45: {  	_ =	shalt  }
0x46: {  	_ =	shalt  }
0x47: {  	_ =	shalt  }
0x48: {  	_ =	shalt  }
0x49: {  	_ =	shalt  }
0x4a: {  	_ =	shalt  }
0x4b: {  	_ =	shalt  }
0x4c: {  	_ =	shalt  }
0x4d: {  	_ =	shalt  }
0x4e: {  	_ =	shalt  }
0x4f: {  	_ =	shalt  }
0x50: {  	_ =	shalt  }
0x51: {  	_ =	shalt  }
0x52: {  	_ =	shalt  }
0x53: {  	_ =	shalt  }
0x54: {  	_ =	shalt  }
0x55: {  	_ =	shalt  }
0x56: {  	_ =	shalt  }
0x57: {  	_ =	shalt  }
0x58: {  	_ =	shalt  }
0x59: {  	_ =	shalt  }
0x5a: {  	_ =	shalt  }
0x5b: {  	_ =	shalt  }
0x5c: {  	_ =	shalt  }
0x5d: {  	_ =	shalt  }
0x5e: {  	_ =	shalt  }
0x5f: {  	_ =	shalt  }
0x60: {  	_ =	shalt  }
0x61: {  	_ =	shalt  }
0x62: {  	_ =	shalt  }
0x63: {  	_ =	shalt  }
0x64: {  	_ =	shalt  }
0x65: {  	_ =	shalt  }
0x66: {  	_ =	shalt  }
0x67: {  	_ =	shalt  }
0x68: {  	_ =	shalt  }
0x69: {  	_ =	shalt  }
0x6a: {  	_ =	shalt  }
0x6b: {  	_ =	shalt  }
0x6c: {  	_ =	shalt  }
0x6d: {  	_ =	shalt  }
0x6e: {  	_ =	shalt  }
0x6f: {  	_ =	shalt  }
0x70: {  	_ =	shalt  }
0x71: {  	_ =	shalt  }
0x72: {  	_ =	shalt  }
0x73: {  	_ =	shalt  }
0x74: {  	_ =	shalt  }
0x75: {  	_ =	shalt  }
0x76: {  	_ =	shalt  }
0x77: {  	_ =	shalt  }
0x78: {  	_ =	shalt  }
0x79: {  	_ =	shalt  }
0x7a: {  	_ =	shalt  }
0x7b: {  	_ =	shalt  }
0x7c: {  	_ =	shalt  }
0x7d: {  	_ =	shalt  }
0x7e: {  	_ =	shalt  }
0x7f: {  	_ =	shalt  }
0x80: {  	_ =	shalt  }
0x81: {  	_ =	shalt  }
0x82: {  	_ =	shalt  }
0x83: {  	_ =	shalt  }
0x84: {  	_ =	shalt  }
0x85: {  	_ =	shalt  }
0x86: {  	_ =	shalt  }
0x87: {  	_ =	shalt  }
.Lfunc_end0:
.L_simem_size_0:
called_computation_lowered:
.L_overlay_start_0:
0x88: {  	s2 =	sld [smem:$0x3FD9]  }
0x89: {  	s3 =	sld [smem:$0x3FFE];
	_ =	sdelay $0x1  }
0x8a: {  	s1 =	srdreg.scid  }
0x8b: {  	s0 =	sand.u32 $0x1, s1  }
0x8c: {  	s14 =	sshll.u32 s0, $0xA;
	s2 =	sadd.s32 s3, s2  }
0x8d: {  	s2 =	sadd.s32 s2, s14  }
0x8e: {  	[smem:$0x3FC5] =	sst s2  }
0x8f: {  	_ = 	snop  }
0x90: {  	s2 =	sld [smem:$0x3FD0];
	_ =	sdelay $0x2  }
0x91: {  	s4 =	simm.s32 $0xA;
	s5 =	simm.s32 $0x10;
	s15 =	sld [smem:$0x3FC9]  }
0x92: {  	[smem:s5], [sflag:s4] =	dma.local [hbm:s2], $0x1  }
0x93: {  	_ =	swait.eq [sflag:s4], $0x1  }
0x94: {  	[sflag:s4] =	ssyncset.done $0x0  }
0x95: {  	s16 =	sld [smem:$0x10];
	[sflag:s4] =	ssyncadd.s32 $0xFFFFFFFF  }
0x96: {  	s17 =	sld [smem:$0x11];
	(tm) =	ssettm $0x1  }
0x97: {  	s18 =	sld [smem:$0x3FFB];
	_ =	sdelay $0x3  }
0x98: {  	_ =	strace s18  }
0x99: {  	s5 =	sld [smem:$0x3FFC];
	_ =	sdelay $0x3  }
0x9a: {  	_ =	strace s5  }
0x9b: {  	s5 =	sld [smem:$0x3FFD];
	_ =	sdelay $0x3  }
0x9c: {  	_ =	strace s5  }
0x9d: {  	_ =	strace $0x8FFFFFFF  }
0x9e: {  	s19 =	sld [smem:$0x3FDB];
	_ =	sdelay $0x1  }
0x9f: {  	s6 =	simm.s32 $_scs_section_size  }
0xa0: {  	s7 =	simm.s32 $_size__tile_overlayer_lowered;
	s8 =	simm.s32 $_tile_overlayer_lowered  }
0xa1: {  	s22 =	simm.s32 $0x1BFF;
	s21 =	sshll.u32 s8, $0x1;
	s5 =	sadd.s32 s6, s19  }
0xa2: {  	s9 =	simm.s32 $0x0;
	s20 =	sshll.u32 s7, $0x1;
	s7 =	sadd.s32 s21, s5  }
0xa3: {  	[timem:s9], [sflag:s22] =	dma.local [hbm:s7], s20  }
0xa4: {  	_ =	swait.ge [sflag:s22], s20  }
0xa5: {  	s6 =	ssub.s32 $0x0, s20;
	[sflag:s22] =	ssyncset.done $0x0  }
0xa6: {  	[sflag:s22] =	ssyncadd.s32 s6;
	_ =	sdelay $0x1  }
0xa7: {  	s23 =	simm.s32 $0x1B8B  }
0xa8: {  	_ =	swait.ge [sflag:s23], $0x1  }
0xa9: {  	[sflag:s23] =	ssyncset.done $0x0  }
0xaa: {  	s25 =	simm.s32 $0x1B8E;
	s24 =	sld [smem:$0x3FFE];
	[sflag:s23] =	ssyncadd.s32 $0xFFFFFFFF  }
0xab: {  	s26 =	simm.s32 $execute0_lowered;
	[smem:$0x3FD2] =	sst s25  }
0xac: {  	s7 =	sshll.u32 s26, $0x1;
	_ =	strace $0x80000046;
	[dreg:$0x1] =	wrdreg $0xFFFFFFFF  }
0xad: {  	s28 =	simm.s32 $_size_execute0_lowered;
	s5 =	sadd.s32 s5, s7;
	[dreg:$0x0] =	wrdreg $0x0  }
0xae: {  	s7 =	sshll.u32 s28, $0x1;
	[dreg:$0x2] =	wrdreg s5  }
0xaf: {  	[dreg:$0x3] =	wrdreg s7  }
0xb0: {  	[dreg:$0x4] =	wrdreg $0xC0  }
0xb1: {  	_ =	task [dreg:s9], $0x5FFFF  }
0xb2: {  	[dreg:$0x1] =	wrdreg $0xFFFFFFFF  }
0xb3: {  	[dreg:$0x0] =	wrdreg $0x60  }
0xb4: {  	[dreg:$0x2] =	wrdreg s15  }
0xb5: {  	[dreg:$0x3] =	wrdreg s24  }
0xb6: {  	[dreg:$0x4] =	wrdreg s16  }
0xb7: {  	[dreg:$0x5] =	wrdreg s17  }
0xb8: {  	[dreg:$0x6] =	wrdreg $0x9  }
0xb9: {  	_ =	task.clear_ibuf [dreg:s9], $0x7FFFF;
	_ =	strace $0x90000046  }
0xba: {  	s29 =	simm.s32 $0x9;
	_ =	strace $0x80000048  }
0xbb: {  	_ =	swait.ge [sflag:s29], $0x1  }
0xbc: {  	[sflag:s29] =	ssyncadd.s32 $0xFFFFFFFF  }
0xbd: {  	_ =	strace $0x90000048  }
0xbe: {  	_ =	sfence  }
0xbf: {  	s30 =	sld [smem:$0x0];
	_ =	sdelay $0x2  }
0xc0: {  	s31 =	sshll.u32 s1, $0xD;
	s1 =	sshrl.u32 s1, $0x2  }
0xc1: {  	s3 =	sand.u32 $0x4000, s31;
	s1 =	sadd.s32 s1, s30  }
0xc2: {  	s0 =	sor.u32 s3, s0;
	s1 =	sshll.u32 s1, $0x11  }
0xc3: {  	s0 =	sor.u32 s1, s0  }
0xc4: {  	s0 =	sadd.s32 $0x8F2B, s0  }
0xc5: {  	[sflag:s0] =	ssyncadd.remote.s32 $0x1  }
0xc6: {  	_ =	sfence.sel $0xFFFF  }
0xc7: {  	[dreg:$0x0] =	wrdreg $0xFFFFFFFF;
	(pc) =	sbr.abs _section_cstart, $3  }
0xc8: {  	[dreg:$0x1] =	wrdreg $0xFFFFFFFF  }
0xc9: {  	_ =	task.clear_ibuf [dreg:s9], $0x2FFFF;
	_ =	strace $0x9FFFFFFF  }
0xca: {  	(tm) =	ssettm $0x7FFFFFFF  }
0xcb: {  	_ =	shalt  }
tec
execute0_lowered:
.L_overlay_start_1:
0x0: {  	(tag) =	ssettag $0x1  }
0x1: {  	v0 =	vimm.s32 $0x3210;
	vm0 =	vcmask $0xF00  }
0x2: {  	v1 =	vimm.s32 $0x383;
	vm7 =	vcmask $0x300;
	v2 =	vimm.s32 $0x83828180  }
0x3: {  	vm8 =	vcmask $0x704;
	vm9 =	vcmask $0xB08;
	vm10 =	vcmask $0xF0C  }
0x4: {  	vm11 =	vcmask $0x1310;
	vm6 =	vcmask $0x1F10;
	vm12 =	vcmask $0x1714  }
0x5: {  	vm13 =	vcmask $0x1B18;
	vm5 =	vcmask $0x2320;
	vm14 =	vcmask $0x1F1C  }
0x6: {  	vm4 =	vcmask $0x2B28;
	vm3 =	vcmask $0x2F2C;
	vm2 =	vcmask $0x3330  }
0x7: {  	vm1 =	vcmask $0x3734;
	vm15 =	vcmask $0x3B38;
	v58 =	vimm.s32 $0x583  }
0x8: {  	v3 =	vimm.s32 $0x783;
	v4 =	vimm.s32 $0x983;
	v5 =	vimm.s32 $0xB83  }
0x9: {  	v6 =	vimm.s32 $0xD83;
	v7 =	vimm.s32 $0xF83;
	v8 =	vimm.s32 $0x1183  }
0xa: {  	v9 =	vimm.s32 $0x1383;
	v10 =	vimm.s32 $0x1583;
	v11 =	vimm.s32 $0x1783  }
0xb: {  	v12 =	vimm.s32 $0x1983;
	v13 =	vimm.s32 $0x1B83;
	v14 =	vimm.s32 $0x1D83  }
0xc: {  	v15 =	vimm.s32 $0x1F83;
	v16 =	vimm.s32 $0x2183;
	v17 =	vimm.s32 $0x2383  }
0xd: {  	v18 =	vimm.s32 $0x2583;
	v19 =	vimm.s32 $0x2783;
	v20 =	vimm.s32 $0x2983  }
0xe: {  	v21 =	vimm.s32 $0x2B83;
	v22 =	vimm.s32 $0x2D83;
	v23 =	vimm.s32 $0x2F83  }
0xf: {  	v24 =	vimm.s32 $0x3183;
	v25 =	vimm.s32 $0x3383;
	v26 =	vimm.s32 $0x3583  }
0x10: {  	v27 =	vimm.s32 $0x3783;
	v28 =	vimm.s32 $0x3983;
	v29 =	vimm.s32 $0x3B83  }
0x11: {  	v30 =	vimm.s32 $0x3D83;
	v31 =	vimm.s32 $0x3F83;
	v0 =	vunpack.c.l.s4.s8 v0  }
0x12: {  	v1 =	vsel vm7, $0x200, v1;
	v2 =	vunpack.c.0.s8.s32 v2;
	v3 =	vsel vm7, $0x600, v3  }
0x13: {  	v4 =	vsel vm7, $0x800, v4;
	v5 =	vsel vm7, $0xA00, v5;
	v6 =	vsel vm7, $0xC00, v6  }
0x14: {  	v7 =	vsel vm7, $0xE00, v7;
	v8 =	vsel vm7, $0x1000, v8;
	v9 =	vsel vm7, $0x1200, v9  }
0x15: {  	v10 =	vsel vm7, $0x1400, v10;
	v11 =	vsel vm7, $0x1600, v11;
	v12 =	vsel vm7, $0x1800, v12  }
0x16: {  	v13 =	vsel vm7, $0x1A00, v13;
	v14 =	vsel vm7, $0x1C00, v14;
	v15 =	vsel vm7, $0x1E00, v15  }
0x17: {  	v16 =	vsel vm7, $0x2000, v16;
	v17 =	vsel vm7, $0x2200, v17;
	v18 =	vsel vm7, $0x2400, v18  }
0x18: {  	v19 =	vsel vm7, $0x2600, v19;
	v20 =	vsel vm7, $0x2800, v20;
	v21 =	vsel vm7, $0x2A00, v21  }
0x19: {  	v22 =	vsel vm7, $0x2C00, v22;
	v23 =	vsel vm7, $0x2E00, v23;
	v24 =	vsel vm7, $0x3000, v24  }
0x1a: {  	v25 =	vsel vm7, $0x3200, v25;
	v26 =	vsel vm7, $0x3400, v26;
	v27 =	vsel vm7, $0x3600, v27  }
0x1b: {  	v28 =	vsel vm7, $0x3800, v28;
	v29 =	vsel vm7, $0x3A00, v29;
	v30 =	vsel vm7, $0x3C00, v30  }
0x1c: {  	v31 =	vsel vm7, $0x3E00, v31;
	v1 =	vsel vm8, $0x201, v1;
	v3 =	vsel vm8, $0x601, v3  }
0x1d: {  	v4 =	vsel vm8, $0x801, v4;
	v5 =	vsel vm8, $0xA01, v5;
	v6 =	vsel vm8, $0xC01, v6  }
0x1e: {  	v7 =	vsel vm8, $0xE01, v7;
	v8 =	vsel vm8, $0x1001, v8;
	v9 =	vsel vm8, $0x1201, v9  }
0x1f: {  	v10 =	vsel vm8, $0x1401, v10;
	v11 =	vsel vm8, $0x1601, v11;
	v12 =	vsel vm8, $0x1801, v12  }
0x20: {  	v13 =	vsel vm8, $0x1A01, v13;
	v14 =	vsel vm8, $0x1C01, v14;
	v15 =	vsel vm8, $0x1E01, v15  }
0x21: {  	v16 =	vsel vm8, $0x2001, v16;
	v17 =	vsel vm8, $0x2201, v17;
	v18 =	vsel vm8, $0x2401, v18  }
0x22: {  	v19 =	vsel vm8, $0x2601, v19;
	v20 =	vsel vm8, $0x2801, v20;
	v21 =	vsel vm8, $0x2A01, v21  }
0x23: {  	v22 =	vsel vm8, $0x2C01, v22;
	v23 =	vsel vm8, $0x2E01, v23;
	v24 =	vsel vm8, $0x3001, v24  }
0x24: {  	v25 =	vsel vm8, $0x3201, v25;
	v26 =	vsel vm8, $0x3401, v26;
	v27 =	vsel vm8, $0x3601, v27  }
0x25: {  	v28 =	vsel vm8, $0x3801, v28;
	v29 =	vsel vm8, $0x3A01, v29;
	v30 =	vsel vm8, $0x3C01, v30  }
0x26: {  	v31 =	vsel vm8, $0x3E01, v31;
	v0 =	vunpack.c.0.s8.s32 v0;
	v1 =	vsel vm9, $0x202, v1  }
0x27: {  	v2 =	vand.u32 $0xFF, v2;
	v3 =	vsel vm9, $0x602, v3;
	v4 =	vsel vm9, $0x802, v4  }
0x28: {  	v5 =	vsel vm9, $0xA02, v5;
	v6 =	vsel vm9, $0xC02, v6;
	v7 =	vsel vm9, $0xE02, v7  }
0x29: {  	v8 =	vsel vm9, $0x1002, v8;
	v9 =	vsel vm9, $0x1202, v9;
	v10 =	vsel vm9, $0x1402, v10  }
0x2a: {  	v11 =	vsel vm9, $0x1602, v11;
	v12 =	vsel vm9, $0x1802, v12;
	v13 =	vsel vm9, $0x1A02, v13  }
0x2b: {  	v14 =	vsel vm9, $0x1C02, v14;
	v15 =	vsel vm9, $0x1E02, v15;
	v16 =	vsel vm9, $0x2002, v16  }
0x2c: {  	v17 =	vsel vm9, $0x2202, v17;
	v18 =	vsel vm9, $0x2402, v18;
	v19 =	vsel vm9, $0x2602, v19  }
0x2d: {  	v20 =	vsel vm9, $0x2802, v20;
	v21 =	vsel vm9, $0x2A02, v21;
	v22 =	vsel vm9, $0x2C02, v22  }
0x2e: {  	v23 =	vsel vm9, $0x2E02, v23;
	v24 =	vsel vm9, $0x3002, v24;
	v25 =	vsel vm9, $0x3202, v25  }
0x2f: {  	v26 =	vsel vm9, $0x3402, v26;
	v27 =	vsel vm9, $0x3602, v27;
	v28 =	vsel vm9, $0x3802, v28  }
0x30: {  	v29 =	vsel vm9, $0x3A02, v29;
	v30 =	vsel vm9, $0x3C02, v30;
	v31 =	vsel vm9, $0x3E02, v31  }
0x31: {  	v1 =	vsel vm10, $0x203, v1;
	v3 =	vsel vm10, $0x603, v3;
	v4 =	vsel vm10, $0x803, v4  }
0x32: {  	v5 =	vsel vm10, $0xA03, v5;
	v6 =	vsel vm10, $0xC03, v6;
	v7 =	vsel vm10, $0xE03, v7  }
0x33: {  	v8 =	vsel vm10, $0x1003, v8;
	v9 =	vsel vm10, $0x1203, v9;
	v10 =	vsel vm10, $0x1403, v10  }
0x34: {  	v11 =	vsel vm10, $0x1603, v11;
	v12 =	vsel vm10, $0x1803, v12;
	v13 =	vsel vm10, $0x1A03, v13  }
0x35: {  	v14 =	vsel vm10, $0x1C03, v14;
	v15 =	vsel vm10, $0x1E03, v15;
	v16 =	vsel vm10, $0x2003, v16  }
0x36: {  	v17 =	vsel vm10, $0x2203, v17;
	v18 =	vsel vm10, $0x2403, v18;
	v19 =	vsel vm10, $0x2603, v19  }
0x37: {  	v20 =	vsel vm10, $0x2803, v20;
	v21 =	vsel vm10, $0x2A03, v21;
	v22 =	vsel vm10, $0x2C03, v22  }
0x38: {  	v23 =	vsel vm10, $0x2E03, v23;
	v24 =	vsel vm10, $0x3003, v24;
	v25 =	vsel vm10, $0x3203, v25  }
0x39: {  	v26 =	vsel vm10, $0x3403, v26;
	v27 =	vsel vm10, $0x3603, v27;
	v28 =	vsel vm10, $0x3803, v28  }
0x3a: {  	v29 =	vsel vm10, $0x3A03, v29;
	v30 =	vsel vm10, $0x3C03, v30;
	v31 =	vsel vm10, $0x3E03, v31  }
0x3b: {  	v0 =	vnsel vm0, $0x183, v0;
	v1 =	vsel vm11, $0x280, v1;
	v3 =	vsel vm11, $0x680, v3  }
0x3c: {  	v4 =	vsel vm11, $0x880, v4;
	v5 =	vsel vm11, $0xA80, v5;
	v6 =	vsel vm11, $0xC80, v6  }
0x3d: {  	v7 =	vsel vm11, $0xE80, v7;
	v8 =	vsel vm11, $0x1080, v8;
	v9 =	vsel vm11, $0x1280, v9  }
0x3e: {  	v10 =	vsel vm11, $0x1480, v10;
	v11 =	vsel vm11, $0x1680, v11;
	v12 =	vsel vm11, $0x1880, v12  }
0x3f: {  	v13 =	vsel vm11, $0x1A80, v13;
	v14 =	vsel vm11, $0x1C80, v14;
	v15 =	vsel vm11, $0x1E80, v15  }
0x40: {  	v16 =	vsel vm11, $0x2080, v16;
	v17 =	vsel vm11, $0x2280, v17;
	v18 =	vsel vm11, $0x2480, v18  }
0x41: {  	v19 =	vsel vm11, $0x2680, v19;
	v20 =	vsel vm11, $0x2880, v20;
	v21 =	vsel vm11, $0x2A80, v21  }
0x42: {  	v22 =	vsel vm11, $0x2C80, v22;
	v23 =	vsel vm11, $0x2E80, v23;
	v24 =	vsel vm11, $0x3080, v24  }
0x43: {  	v25 =	vsel vm11, $0x3280, v25;
	v26 =	vsel vm11, $0x3480, v26;
	v27 =	vsel vm11, $0x3680, v27  }
0x44: {  	v28 =	vsel vm11, $0x3880, v28;
	v29 =	vsel vm11, $0x3A80, v29;
	v30 =	vsel vm11, $0x3C80, v30  }
0x45: {  	v31 =	vsel vm11, $0x3E80, v31;
	v0 =	vsel vm6, v2, v0;
	v1 =	vsel vm12, $0x281, v1  }
0x46: {  	vm6 =	vcmask $0x2724;
	v2 =	vsel vm7, $0x400, v58;
	v3 =	vsel vm12, $0x681, v3  }
0x47: {  	v4 =	vsel vm12, $0x881, v4;
	v5 =	vsel vm12, $0xA81, v5;
	v6 =	vsel vm12, $0xC81, v6  }
0x48: {  	v7 =	vsel vm12, $0xE81, v7;
	v8 =	vsel vm12, $0x1081, v8;
	v9 =	vsel vm12, $0x1281, v9  }
0x49: {  	v10 =	vsel vm12, $0x1481, v10;
	v11 =	vsel vm12, $0x1681, v11;
	v12 =	vsel vm12, $0x1881, v12  }
0x4a: {  	v13 =	vsel vm12, $0x1A81, v13;
	v14 =	vsel vm12, $0x1C81, v14;
	v15 =	vsel vm12, $0x1E81, v15  }
0x4b: {  	v16 =	vsel vm12, $0x2081, v16;
	v17 =	vsel vm12, $0x2281, v17;
	v18 =	vsel vm12, $0x2481, v18  }
0x4c: {  	v19 =	vsel vm12, $0x2681, v19;
	v20 =	vsel vm12, $0x2881, v20;
	v21 =	vsel vm12, $0x2A81, v21  }
0x4d: {  	v22 =	vsel vm12, $0x2C81, v22;
	v23 =	vsel vm12, $0x2E81, v23;
	v24 =	vsel vm12, $0x3081, v24  }
0x4e: {  	v25 =	vsel vm12, $0x3281, v25;
	v26 =	vsel vm12, $0x3481, v26;
	v27 =	vsel vm12, $0x3681, v27  }
0x4f: {  	v28 =	vsel vm12, $0x3881, v28;
	v29 =	vsel vm12, $0x3A81, v29;
	v30 =	vsel vm12, $0x3C81, v30  }
0x50: {  	v31 =	vsel vm12, $0x3E81, v31;
	v1 =	vsel vm13, $0x282, v1;
	v0 =	vsel vm5, $0x100, v0  }
0x51: {  	v2 =	vsel vm8, $0x401, v2;
	v3 =	vsel vm13, $0x682, v3;
	v4 =	vsel vm13, $0x882, v4  }
0x52: {  	v5 =	vsel vm13, $0xA82, v5;
	v6 =	vsel vm13, $0xC82, v6;
	v7 =	vsel vm13, $0xE82, v7  }
0x53: {  	v8 =	vsel vm13, $0x1082, v8;
	v9 =	vsel vm13, $0x1282, v9;
	v10 =	vsel vm13, $0x1482, v10  }
0x54: {  	v11 =	vsel vm13, $0x1682, v11;
	v12 =	vsel vm13, $0x1882, v12;
	v13 =	vsel vm13, $0x1A82, v13  }
0x55: {  	v14 =	vsel vm13, $0x1C82, v14;
	v15 =	vsel vm13, $0x1E82, v15;
	v16 =	vsel vm13, $0x2082, v16  }
0x56: {  	v17 =	vsel vm13, $0x2282, v17;
	v18 =	vsel vm13, $0x2482, v18;
	v19 =	vsel vm13, $0x2682, v19  }
0x57: {  	v20 =	vsel vm13, $0x2882, v20;
	v21 =	vsel vm13, $0x2A82, v21;
	v22 =	vsel vm13, $0x2C82, v22  }
0x58: {  	v23 =	vsel vm13, $0x2E82, v23;
	v24 =	vsel vm13, $0x3082, v24;
	v25 =	vsel vm13, $0x3282, v25  }
0x59: {  	v26 =	vsel vm13, $0x3482, v26;
	v27 =	vsel vm13, $0x3682, v27;
	v28 =	vsel vm13, $0x3882, v28  }
0x5a: {  	v29 =	vsel vm13, $0x3A82, v29;
	v30 =	vsel vm13, $0x3C82, v30;
	v31 =	vsel vm13, $0x3E82, v31  }
0x5b: {  	v1 =	vsel vm14, $0x283, v1;
	v0 =	vsel vm6, $0x101, v0;
	v2 =	vsel vm9, $0x402, v2  }
0x5c: {  	v3 =	vsel vm14, $0x683, v3;
	v4 =	vsel vm14, $0x883, v4;
	v5 =	vsel vm14, $0xA83, v5  }
0x5d: {  	v6 =	vsel vm14, $0xC83, v6;
	v7 =	vsel vm14, $0xE83, v7;
	v8 =	vsel vm14, $0x1083, v8  }
0x5e: {  	v9 =	vsel vm14, $0x1283, v9;
	v10 =	vsel vm14, $0x1483, v10;
	v11 =	vsel vm14, $0x1683, v11  }
0x5f: {  	v12 =	vsel vm14, $0x1883, v12;
	v13 =	vsel vm14, $0x1A83, v13;
	v14 =	vsel vm14, $0x1C83, v14  }
0x60: {  	v15 =	vsel vm14, $0x1E83, v15;
	v16 =	vsel vm14, $0x2083, v16;
	v17 =	vsel vm14, $0x2283, v17  }
0x61: {  	v18 =	vsel vm14, $0x2483, v18;
	v19 =	vsel vm14, $0x2683, v19;
	v20 =	vsel vm14, $0x2883, v20  }
0x62: {  	v21 =	vsel vm14, $0x2A83, v21;
	v22 =	vsel vm14, $0x2C83, v22;
	v23 =	vsel vm14, $0x2E83, v23  }
0x63: {  	v24 =	vsel vm14, $0x3083, v24;
	v25 =	vsel vm14, $0x3283, v25;
	v26 =	vsel vm14, $0x3483, v26  }
0x64: {  	v27 =	vsel vm14, $0x3683, v27;
	v28 =	vsel vm14, $0x3883, v28;
	v29 =	vsel vm14, $0x3A83, v29  }
0x65: {  	v30 =	vsel vm14, $0x3C83, v30;
	v31 =	vsel vm14, $0x3E83, v31;
	v1 =	vsel vm5, $0x300, v1  }
0x66: {  	v0 =	vsel vm4, $0x102, v0;
	v2 =	vsel vm10, $0x403, v2;
	v3 =	vsel vm5, $0x700, v3  }
0x67: {  	v4 =	vsel vm5, $0x900, v4;
	v5 =	vsel vm5, $0xB00, v5;
	v6 =	vsel vm5, $0xD00, v6  }
0x68: {  	v7 =	vsel vm5, $0xF00, v7;
	v8 =	vsel vm5, $0x1100, v8;
	v9 =	vsel vm5, $0x1300, v9  }
0x69: {  	v10 =	vsel vm5, $0x1500, v10;
	v11 =	vsel vm5, $0x1700, v11;
	v12 =	vsel vm5, $0x1900, v12  }
0x6a: {  	v13 =	vsel vm5, $0x1B00, v13;
	v14 =	vsel vm5, $0x1D00, v14;
	v15 =	vsel vm5, $0x1F00, v15  }
0x6b: {  	v16 =	vsel vm5, $0x2100, v16;
	v17 =	vsel vm5, $0x2300, v17;
	v18 =	vsel vm5, $0x2500, v18  }
0x6c: {  	v19 =	vsel vm5, $0x2700, v19;
	v20 =	vsel vm5, $0x2900, v20;
	v21 =	vsel vm5, $0x2B00, v21  }
0x6d: {  	v22 =	vsel vm5, $0x2D00, v22;
	v23 =	vsel vm5, $0x2F00, v23;
	v24 =	vsel vm5, $0x3100, v24  }
0x6e: {  	v25 =	vsel vm5, $0x3300, v25;
	v26 =	vsel vm5, $0x3500, v26;
	v27 =	vsel vm5, $0x3700, v27  }
0x6f: {  	v28 =	vsel vm5, $0x3900, v28;
	v29 =	vsel vm5, $0x3B00, v29;
	v30 =	vsel vm5, $0x3D00, v30  }
0x70: {  	v31 =	vsel vm5, $0x3F00, v31;
	v1 =	vsel vm6, $0x301, v1;
	v0 =	vsel vm3, $0x103, v0  }
0x71: {  	v2 =	vsel vm11, $0x480, v2;
	v3 =	vsel vm6, $0x701, v3;
	v4 =	vsel vm6, $0x901, v4  }
0x72: {  	v5 =	vsel vm6, $0xB01, v5;
	v6 =	vsel vm6, $0xD01, v6;
	v7 =	vsel vm6, $0xF01, v7  }
0x73: {  	v8 =	vsel vm6, $0x1101, v8;
	v9 =	vsel vm6, $0x1301, v9;
	v10 =	vsel vm6, $0x1501, v10  }
0x74: {  	v11 =	vsel vm6, $0x1701, v11;
	v12 =	vsel vm6, $0x1901, v12;
	v13 =	vsel vm6, $0x1B01, v13  }
0x75: {  	v14 =	vsel vm6, $0x1D01, v14;
	v15 =	vsel vm6, $0x1F01, v15;
	v16 =	vsel vm6, $0x2101, v16  }
0x76: {  	v17 =	vsel vm6, $0x2301, v17;
	v18 =	vsel vm6, $0x2501, v18;
	v19 =	vsel vm6, $0x2701, v19  }
0x77: {  	v20 =	vsel vm6, $0x2901, v20;
	v21 =	vsel vm6, $0x2B01, v21;
	v22 =	vsel vm6, $0x2D01, v22  }
0x78: {  	v23 =	vsel vm6, $0x2F01, v23;
	v24 =	vsel vm6, $0x3101, v24;
	v25 =	vsel vm6, $0x3301, v25  }
0x79: {  	v26 =	vsel vm6, $0x3501, v26;
	v27 =	vsel vm6, $0x3701, v27;
	v28 =	vsel vm6, $0x3901, v28  }
0x7a: {  	v29 =	vsel vm6, $0x3B01, v29;
	v30 =	vsel vm6, $0x3D01, v30;
	v31 =	vsel vm6, $0x3F01, v31  }
0x7b: {  	v1 =	vsel vm4, $0x302, v1;
	v0 =	vsel vm2, $0x180, v0;
	v2 =	vsel vm12, $0x481, v2  }
0x7c: {  	v3 =	vsel vm4, $0x702, v3;
	v4 =	vsel vm4, $0x902, v4;
	v5 =	vsel vm4, $0xB02, v5  }
0x7d: {  	v6 =	vsel vm4, $0xD02, v6;
	v7 =	vsel vm4, $0xF02, v7;
	v8 =	vsel vm4, $0x1102, v8  }
0x7e: {  	v9 =	vsel vm4, $0x1302, v9;
	v10 =	vsel vm4, $0x1502, v10;
	v11 =	vsel vm4, $0x1702, v11  }
0x7f: {  	v12 =	vsel vm4, $0x1902, v12;
	v13 =	vsel vm4, $0x1B02, v13;
	v14 =	vsel vm4, $0x1D02, v14  }
0x80: {  	v15 =	vsel vm4, $0x1F02, v15;
	v16 =	vsel vm4, $0x2102, v16;
	v17 =	vsel vm4, $0x2302, v17  }
0x81: {  	v18 =	vsel vm4, $0x2502, v18;
	v19 =	vsel vm4, $0x2702, v19;
	v20 =	vsel vm4, $0x2902, v20  }
0x82: {  	v21 =	vsel vm4, $0x2B02, v21;
	v22 =	vsel vm4, $0x2D02, v22;
	v23 =	vsel vm4, $0x2F02, v23  }
0x83: {  	v24 =	vsel vm4, $0x3102, v24;
	v25 =	vsel vm4, $0x3302, v25;
	v26 =	vsel vm4, $0x3502, v26  }
0x84: {  	v27 =	vsel vm4, $0x3702, v27;
	v28 =	vsel vm4, $0x3902, v28;
	v29 =	vsel vm4, $0x3B02, v29  }
0x85: {  	v30 =	vsel vm4, $0x3D02, v30;
	v31 =	vsel vm4, $0x3F02, v31;
	v1 =	vsel vm3, $0x303, v1  }
0x86: {  	v0 =	vsel vm1, $0x181, v0;
	v2 =	vsel vm13, $0x482, v2;
	v3 =	vsel vm3, $0x703, v3  }
0x87: {  	v4 =	vsel vm3, $0x903, v4;
	v5 =	vsel vm3, $0xB03, v5;
	v6 =	vsel vm3, $0xD03, v6  }
0x88: {  	v7 =	vsel vm3, $0xF03, v7;
	v8 =	vsel vm3, $0x1103, v8;
	v9 =	vsel vm3, $0x1303, v9  }
0x89: {  	v10 =	vsel vm3, $0x1503, v10;
	v11 =	vsel vm3, $0x1703, v11;
	v12 =	vsel vm3, $0x1903, v12  }
0x8a: {  	v13 =	vsel vm3, $0x1B03, v13;
	v14 =	vsel vm3, $0x1D03, v14;
	v15 =	vsel vm3, $0x1F03, v15  }
0x8b: {  	v16 =	vsel vm3, $0x2103, v16;
	v17 =	vsel vm3, $0x2303, v17;
	v18 =	vsel vm3, $0x2503, v18  }
0x8c: {  	v19 =	vsel vm3, $0x2703, v19;
	v20 =	vsel vm3, $0x2903, v20;
	v21 =	vsel vm3, $0x2B03, v21  }
0x8d: {  	v22 =	vsel vm3, $0x2D03, v22;
	v23 =	vsel vm3, $0x2F03, v23;
	v24 =	vsel vm3, $0x3103, v24  }
0x8e: {  	v25 =	vsel vm3, $0x3303, v25;
	v26 =	vsel vm3, $0x3503, v26;
	v27 =	vsel vm3, $0x3703, v27  }
0x8f: {  	v28 =	vsel vm3, $0x3903, v28;
	v29 =	vsel vm3, $0x3B03, v29;
	v30 =	vsel vm3, $0x3D03, v30  }
0x90: {  	v31 =	vsel vm3, $0x3F03, v31;
	v1 =	vsel vm2, $0x380, v1;
	v0 =	vsel vm15, $0x182, v0  }
0x91: {  	v2 =	vsel vm14, $0x483, v2;
	v3 =	vsel vm2, $0x780, v3;
	v4 =	vsel vm2, $0x980, v4  }
0x92: {  	v5 =	vsel vm2, $0xB80, v5;
	v6 =	vsel vm2, $0xD80, v6;
	v7 =	vsel vm2, $0xF80, v7  }
0x93: {  	v8 =	vsel vm2, $0x1180, v8;
	v9 =	vsel vm2, $0x1380, v9;
	v10 =	vsel vm2, $0x1580, v10  }
0x94: {  	v11 =	vsel vm2, $0x1780, v11;
	v12 =	vsel vm2, $0x1980, v12;
	v13 =	vsel vm2, $0x1B80, v13  }
0x95: {  	v14 =	vsel vm2, $0x1D80, v14;
	v15 =	vsel vm2, $0x1F80, v15;
	v16 =	vsel vm2, $0x2180, v16  }
0x96: {  	v17 =	vsel vm2, $0x2380, v17;
	v18 =	vsel vm2, $0x2580, v18;
	v19 =	vsel vm2, $0x2780, v19  }
0x97: {  	v20 =	vsel vm2, $0x2980, v20;
	v21 =	vsel vm2, $0x2B80, v21;
	v22 =	vsel vm2, $0x2D80, v22  }
0x98: {  	v23 =	vsel vm2, $0x2F80, v23;
	v24 =	vsel vm2, $0x3180, v24;
	v25 =	vsel vm2, $0x3380, v25  }
0x99: {  	v26 =	vsel vm2, $0x3580, v26;
	v27 =	vsel vm2, $0x3780, v27;
	v28 =	vsel vm2, $0x3980, v28  }
0x9a: {  	v29 =	vsel vm2, $0x3B80, v29;
	v30 =	vsel vm2, $0x3D80, v30;
	v31 =	vsel vm2, $0x3F80, v31  }
0x9b: {  	v1 =	vsel vm1, $0x381, v1;
	v2 =	vsel vm5, $0x500, v2;
	v3 =	vsel vm1, $0x781, v3  }
0x9c: {  	v4 =	vsel vm1, $0x981, v4;
	v5 =	vsel vm1, $0xB81, v5;
	v6 =	vsel vm1, $0xD81, v6  }
0x9d: {  	v7 =	vsel vm1, $0xF81, v7;
	v8 =	vsel vm1, $0x1181, v8;
	v9 =	vsel vm1, $0x1381, v9  }
0x9e: {  	v10 =	vsel vm1, $0x1581, v10;
	v11 =	vsel vm1, $0x1781, v11;
	v12 =	vsel vm1, $0x1981, v12  }
0x9f: {  	v13 =	vsel vm1, $0x1B81, v13;
	v14 =	vsel vm1, $0x1D81, v14;
	v15 =	vsel vm1, $0x1F81, v15  }
0xa0: {  	v16 =	vsel vm1, $0x2181, v16;
	v17 =	vsel vm1, $0x2381, v17;
	v18 =	vsel vm1, $0x2581, v18  }
0xa1: {  	v19 =	vsel vm1, $0x2781, v19;
	v20 =	vsel vm1, $0x2981, v20;
	v21 =	vsel vm1, $0x2B81, v21  }
0xa2: {  	v22 =	vsel vm1, $0x2D81, v22;
	v23 =	vsel vm1, $0x2F81, v23;
	v24 =	vsel vm1, $0x3181, v24  }
0xa3: {  	v25 =	vsel vm1, $0x3381, v25;
	v26 =	vsel vm1, $0x3581, v26;
	v27 =	vsel vm1, $0x3781, v27  }
0xa4: {  	v28 =	vsel vm1, $0x3981, v28;
	v29 =	vsel vm1, $0x3B81, v29;
	v32 =	vsel vm1, $0x3D81, v30  }
0xa5: {  	[tilespmem:$0x1FEA0] =	vst v0;
	v33 =	vsel vm1, $0x3F81, v31;
	v59 =	vsel vm15, $0x382, v1;
	v2 =	vsel vm6, $0x501, v2  }
0xa6: {  	v61 =	vsel vm15, $0x782, v3;
	v62 =	vsel vm15, $0x982, v4;
	v63 =	vsel vm15, $0xB82, v5;
	[tilespmem:$0x1FEB0] =	vst v59  }
0xa7: {  	v4 =	vsel vm15, $0xD82, v6;
	v5 =	vsel vm15, $0xF82, v7;
	v6 =	vsel vm15, $0x1182, v8;
	[tilespmem:$0x1FED0] =	vst v61  }
0xa8: {  	v7 =	vsel vm15, $0x1382, v9;
	v8 =	vsel vm15, $0x1582, v10;
	v9 =	vsel vm15, $0x1782, v11;
	[tilespmem:$0x1FEE0] =	vst v62  }
0xa9: {  	v10 =	vsel vm15, $0x1982, v12;
	v11 =	vsel vm15, $0x1B82, v13;
	v12 =	vsel vm15, $0x1D82, v14;
	[tilespmem:$0x1FEF0] =	vst v63  }
0xaa: {  	v13 =	vsel vm15, $0x1F82, v15;
	v14 =	vsel vm15, $0x2182, v16;
	v15 =	vsel vm15, $0x2382, v17;
	[tilespmem:$0x1FF00] =	vst v4  }
0xab: {  	v16 =	vsel vm15, $0x2582, v18;
	v17 =	vsel vm15, $0x2782, v19;
	v18 =	vsel vm15, $0x2982, v20;
	[tilespmem:$0x1FF10] =	vst v5  }
0xac: {  	v21 =	vsel vm15, $0x2B82, v21;
	v22 =	vsel vm15, $0x2D82, v22;
	v23 =	vsel vm15, $0x2F82, v23;
	[tilespmem:$0x1FF20] =	vst v6  }
0xad: {  	v24 =	vsel vm15, $0x3182, v24;
	v25 =	vsel vm15, $0x3382, v25;
	v26 =	vsel vm15, $0x3582, v26;
	[tilespmem:$0x1FF30] =	vst v7  }
0xae: {  	s5 =	rddreg [dreg:$0x0];
	v27 =	vsel vm15, $0x3782, v27;
	v28 =	vsel vm15, $0x3982, v28;
	v29 =	vsel vm15, $0x3B82, v29;
	[tilespmem:$0x1FF40] =	vst v8  }
0xaf: {  	s0 =	rddreg [dreg:$0x1];
	s12 =	simm.s32 $0x4200;
	v19 =	vlaneseq.u32;
	v31 =	vsel vm15, $0x3D82, v32;
	v32 =	vsel vm15, $0x3F82, v33;
	[tilespmem:$0x1FF50] =	vst v9  }
0xb0: {  	s6 =	rddreg [dreg:$0x2];
	s13 =	simm.s32 $0x4400;
	s14 =	simm.s32 $0x4080;
	v2 =	vsel vm4, $0x502, v2;
	[tilespmem:$0x1FF60] =	vst v10;
	v63 =	vor.u32 $0x10, v19;
	v34 =	vor.u32 $0x20, v19  }
0xb1: {  	s7 =	rddreg [dreg:$0x3];
	s15 =	simm.s32 $0x4280;
	s16 =	simm.s32 $0x4480;
	[tilespmem:$0x1FF70] =	vst v11;
	v35 =	vor.u32 $0x30, v19;
	v36 =	vor.u32 $0x40, v19;
	v37 =	vor.u32 $0x50, v19  }
0xb2: {  	s1 =	rddreg [dreg:$0x4];
	s17 =	simm.s32 $0x4100;
	s18 =	simm.s32 $0x4300;
	[tilespmem:$0x1FF80] =	vst v12;
	v38 =	vor.u32 $0x60, v19;
	v39 =	vor.u32 $0x70, v19;
	v40 =	vor.u32 $0x80, v19  }
0xb3: {  	s2 =	simm.s32 $0x0;
	s19 =	simm.s32 $0x4500;
	s20 =	simm.s32 $0x4180;
	[tilespmem:$0x1FF90] =	vst v13;
	v41 =	vor.u32 $0x90, v19;
	v42 =	vor.u32 $0xA0, v19;
	v43 =	vor.u32 $0xB0, v19  }
0xb4: {  	s3 =	srdreg.scid;
	s21 =	simm.s32 $0x4380;
	s22 =	simm.s32 $0x4580;
	[tilespmem:$0x1FFA0] =	vst v14;
	v44 =	vor.u32 $0xC0, v19;
	v45 =	vor.u32 $0xD0, v19;
	v46 =	vor.u32 $0xE0, v19  }
0xb5: {  	s23 =	simm.s32 $0x1;
	s24 =	simm.s32 $0x4600;
	s25 =	simm.s32 $0x8600;
	[tilespmem:$0x1FFB0] =	vst v15;
	v47 =	vor.u32 $0xF0, v19;
	v48 =	vor.u32 $0x100, v19;
	v49 =	vor.u32 $0x110, v19  }
0xb6: {  	[smem:$0x7FF] =	sst s2;
	s4 =	sand.u32 $0x1, s3;
	s3 =	stileid.u32;
	[tilespmem:$0x1FFC0] =	vst v16;
	v50 =	vor.u32 $0x120, v19;
	v51 =	vor.u32 $0x130, v19;
	v2 =	vsel vm3, $0x503, v2  }
0xb7: {  	s8 =	ssub.s32 $0x2, s4;
	s10 =	sshll.u32 s3, $0xC;
	s11 =	sshll.u32 s4, $0xB;
	[tilespmem:$0x1FFD0] =	vst v17;
	v52 =	vor.u32 $0x140, v19;
	v53 =	vor.u32 $0x150, v19;
	v2 =	vsel vm2, $0x580, v2  }
0xb8: {  	s4 =	sadd.s32 $0x1EA00, s0;
	s9 =	sshrl.u32 s8, $0x1;
	s31 =	sor.u32 s11, s10;
	[tilespmem:$0x1FFE0] =	vst v18;
	v54 =	vor.u32 $0x160, v19;
	v55 =	vor.u32 $0x170, v19;
	v2 =	vsel vm1, $0x581, v2  }
0xb9: {  	s10 =	simm.s32 $0x80;
	s11 =	simm.s32 $0x4000;
	s8 =	ssub.s32 s8, s9;
	v56 =	vor.u32 $0x180, v19;
	v57 =	vor.u32 $0x190, v19;
	[tilespmem:$0x1FFF0] =	vst v63;
	v60 =	vsel vm15, $0x582, v2  }
0xba: {  	s5 =	sadd.s32 s5, s31;
	s6 =	sadd.s32 s6, s31;
	s7 =	sadd.s32 s7, s31;
	v58 =	vor.u32 $0x1A0, v19;
	v59 =	vor.u32 $0x1B0, v19;
	v61 =	vor.u32 $0x1D0, v19;
	[tilespmem:$0x1FEC0] =	vst v60  }
0xbb: {  	s9 =	simm.s32 $0x2;
	s8 =	smax.u32 s8, $0x1;
	v62 =	vor.u32 $0x1E0, v19;
	v63 =	vor.u32 $0x1F0, v19;
	v60 =	vor.u32 $0x1C0, v19;
	_ =	strace $0x80000047  }
.LBB2_1:
0xbc: {  	[tilespmem:s2], [sflag:$0x2] =	stream.linear.gather [hbm4b:s5+s2], $0x4000, $0x38;
	[tilespmem:$0xC600] =	vst v63  }
0xbd: {  	_ =	swait.ge [sflag:s9], $0x4000  }
0xbe: {  	v2 =	vld [tilespmem:$0x1FEA0];
	_ =	sdelay $0x5  }
0xbf: {  	[sflag:s9] =	ssyncset.done $0x0;
	v3 =	vld [tilespmem:$0x1FEB0]  }
0xc0: {  	[sflag:s9] =	ssyncadd.s32 $0xFFFFC000  }
0xc1: {  	v0 =	vld.idx.msk [tilespmem:v2+s2+$0x0], $0xffff;
	_ =	sdelay $0x3  }
0xc2: {  	v4 =	vld [tilespmem:$0x1FEC0]  }
0xc3: {  	[tilespmem:$0x4000] =	vst v0  }
0xc4: {  	v0 =	vld.idx.msk [tilespmem:v3+s2+$0x0], $0xffff;
	_ =	sdelay $0x3  }
0xc5: {  	v5 =	vld [tilespmem:$0x1FED0]  }
0xc6: {  	[tilespmem:$0x4010] =	vst v0  }
0xc7: {  	v0 =	vld.idx.msk [tilespmem:v4+s2+$0x0], $0xffff;
	_ =	sdelay $0x3  }
0xc8: {  	v6 =	vld [tilespmem:$0x1FEE0]  }
0xc9: {  	[tilespmem:$0x4020] =	vst v0  }
0xca: {  	v0 =	vld.idx.msk [tilespmem:v5+s2+$0x0], $0xffff;
	_ =	sdelay $0x3  }
0xcb: {  	v7 =	vld [tilespmem:$0x1FEF0]  }
0xcc: {  	[tilespmem:$0x4030] =	vst v0  }
0xcd: {  	v0 =	vld.idx.msk [tilespmem:v6+s2+$0x0], $0xffff;
	_ =	sdelay $0x3  }
0xce: {  	v8 =	vld [tilespmem:$0x1FF00]  }
0xcf: {  	[tilespmem:$0x4040] =	vst v0  }
0xd0: {  	v0 =	vld.idx.msk [tilespmem:v7+s2+$0x0], $0xffff;
	_ =	sdelay $0x3  }
0xd1: {  	v9 =	vld [tilespmem:$0x1FF10]  }
0xd2: {  	[tilespmem:$0x4050] =	vst v0  }
0xd3: {  	v0 =	vld.idx.msk [tilespmem:v8+s2+$0x0], $0xffff;
	_ =	sdelay $0x3  }
0xd4: {  	v10 =	vld [tilespmem:$0x1FF20]  }
0xd5: {  	[tilespmem:$0x4060] =	vst v0  }
0xd6: {  	v0 =	vld.idx.msk [tilespmem:v9+s2+$0x0], $0xffff;
	_ =	sdelay $0x3  }
0xd7: {  	v30 =	vld [tilespmem:$0x1FF30]  }
0xd8: {  	[tilespmem:$0x4070] =	vst v0  }
0xd9: {  	v0 =	vld.idx.msk [tilespmem:v10+s2+$0x0], $0xffff;
	_ =	sdelay $0x3  }
0xda: {  	v11 =	vld [tilespmem:$0x1FF40]  }
0xdb: {  	[tilespmem:$0x4080] =	vst v0  }
0xdc: {  	v0 =	vld.idx.msk [tilespmem:v30+s2+$0x0], $0xffff;
	_ =	sdelay $0x3  }
0xdd: {  	v12 =	vld [tilespmem:$0x1FF50]  }
0xde: {  	[tilespmem:$0x4090] =	vst v0  }
0xdf: {  	v0 =	vld.idx.msk [tilespmem:v11+s2+$0x0], $0xffff;
	_ =	sdelay $0x3  }
0xe0: {  	v13 =	vld [tilespmem:$0x1FF60]  }
0xe1: {  	[tilespmem:$0x40A0] =	vst v0  }
0xe2: {  	v0 =	vld.idx.msk [tilespmem:v12+s2+$0x0], $0xffff;
	_ =	sdelay $0x3  }
0xe3: {  	v14 =	vld [tilespmem:$0x1FF70]  }
0xe4: {  	[tilespmem:$0x40B0] =	vst v0  }
0xe5: {  	v0 =	vld.idx.msk [tilespmem:v13+s2+$0x0], $0xffff;
	_ =	sdelay $0x3  }
0xe6: {  	v15 =	vld [tilespmem:$0x1FF80]  }
0xe7: {  	[tilespmem:$0x40C0] =	vst v0  }
0xe8: {  	v0 =	vld.idx.msk [tilespmem:v14+s2+$0x0], $0xffff;
	_ =	sdelay $0x3  }
0xe9: {  	v16 =	vld [tilespmem:$0x1FF90]  }
0xea: {  	[tilespmem:$0x40D0] =	vst v0  }
0xeb: {  	v0 =	vld.idx.msk [tilespmem:v15+s2+$0x0], $0xffff;
	_ =	sdelay $0x3  }
0xec: {  	v17 =	vld [tilespmem:$0x1FFA0]  }
0xed: {  	[tilespmem:$0x40E0] =	vst v0  }
0xee: {  	v0 =	vld.idx.msk [tilespmem:v16+s2+$0x0], $0xffff;
	_ =	sdelay $0x3  }
0xef: {  	v18 =	vld [tilespmem:$0x1FFB0]  }
0xf0: {  	[tilespmem:$0x40F0] =	vst v0  }
0xf1: {  	v0 =	vld.idx.msk [tilespmem:v17+s2+$0x0], $0xffff;
	_ =	sdelay $0x3  }
0xf2: {  	v19 =	vld [tilespmem:$0x1FFC0]  }
0xf3: {  	[tilespmem:$0x4100] =	vst v0  }
0xf4: {  	v0 =	vld.idx.msk [tilespmem:v18+s2+$0x0], $0xffff;
	_ =	sdelay $0x3  }
0xf5: {  	v20 =	vld [tilespmem:$0x1FFD0]  }
0xf6: {  	[tilespmem:$0x4110] =	vst v0  }
0xf7: {  	v0 =	vld.idx.msk [tilespmem:v19+s2+$0x0], $0xffff;
	_ =	sdelay $0x3  }
0xf8: {  	v33 =	vld [tilespmem:$0x1FFE0]  }
0xf9: {  	[tilespmem:$0x4120] =	vst v0  }
0xfa: {  	v0 =	vld.idx.msk [tilespmem:v20+s2+$0x0], $0xffff;
	_ =	sdelay $0x4  }
0xfb: {  	[tilespmem:$0x4130] =	vst v0  }
0xfc: {  	v0 =	vld.idx.msk [tilespmem:v33+s2+$0x0], $0xffff;
	_ =	sdelay $0x4  }
0xfd: {  	[tilespmem:$0x4140] =	vst v0  }
0xfe: {  	v0 =	vld.idx.msk [tilespmem:v21+s2+$0x0], $0xffff;
	_ =	sdelay $0x4  }
0xff: {  	[tilespmem:$0x4150] =	vst v0  }
0x100: {  	v0 =	vld.idx.msk [tilespmem:v22+s2+$0x0], $0xffff;
	_ =	sdelay $0x4  }
0x101: {  	[tilespmem:$0x4160] =	vst v0  }
0x102: {  	v0 =	vld.idx.msk [tilespmem:v23+s2+$0x0], $0xffff;
	_ =	sdelay $0x4  }
0x103: {  	[tilespmem:$0x4170] =	vst v0  }
0x104: {  	v0 =	vld.idx.msk [tilespmem:v24+s2+$0x0], $0xffff;
	_ =	sdelay $0x4  }
0x105: {  	[tilespmem:$0x4180] =	vst v0  }
0x106: {  	v0 =	vld.idx.msk [tilespmem:v25+s2+$0x0], $0xffff;
	_ =	sdelay $0x4  }
0x107: {  	[tilespmem:$0x4190] =	vst v0  }
0x108: {  	v0 =	vld.idx.msk [tilespmem:v26+s2+$0x0], $0xffff;
	_ =	sdelay $0x4  }
0x109: {  	[tilespmem:$0x41A0] =	vst v0  }
0x10a: {  	v0 =	vld.idx.msk [tilespmem:v27+s2+$0x0], $0xffff;
	_ =	sdelay $0x4  }
0x10b: {  	[tilespmem:$0x41B0] =	vst v0  }
0x10c: {  	v0 =	vld.idx.msk [tilespmem:v28+s2+$0x0], $0xffff;
	_ =	sdelay $0x4  }
0x10d: {  	[tilespmem:$0x41C0] =	vst v0  }
0x10e: {  	v0 =	vld.idx.msk [tilespmem:v29+s2+$0x0], $0xffff;
	_ =	sdelay $0x4  }
0x10f: {  	[tilespmem:$0x41D0] =	vst v0  }
0x110: {  	v0 =	vld.idx.msk [tilespmem:v31+s2+$0x0], $0xffff;
	_ =	sdelay $0x4  }
0x111: {  	[tilespmem:$0x41E0] =	vst v0  }
0x112: {  	v0 =	vld.idx.msk [tilespmem:v32+s2+$0x0], $0xffff;
	_ =	sdelay $0x4  }
0x113: {  	[tilespmem:$0x41F0] =	vst v0  }
0x114: {  	[tilespmem:s12], [sflag:$0x1] =	stream.indirect.gather [hbm4b:s0+s10], $0x1, s11, s10, $0xb8;
	[tilespmem:$0xC600] =	vst v63  }
0x115: {  	_ = 	snop  }
0x116: {  	[tilespmem:s13], [sflag:$0x1] =	stream.indirect.gather [hbm4b:s4+s10], $0x1, s11, s10, $0xb8;
	[tilespmem:$0xC600] =	vst v63  }
0x117: {  	_ = 	snop  }
0x118: {  	[tilespmem:s15], [sflag:$0x1] =	stream.indirect.gather [hbm4b:s0+s10], $0x1, s14, s10, $0xb8;
	[tilespmem:$0xC600] =	vst v63  }
0x119: {  	_ = 	snop  }
0x11a: {  	[tilespmem:s16], [sflag:$0x1] =	stream.indirect.gather [hbm4b:s4+s10], $0x1, s14, s10, $0xb8;
	[tilespmem:$0xC600] =	vst v63  }
0x11b: {  	_ = 	snop  }
0x11c: {  	[tilespmem:s18], [sflag:$0x1] =	stream.indirect.gather [hbm4b:s0+s10], $0x1, s17, s10, $0xb8;
	[tilespmem:$0xC600] =	vst v63  }
0x11d: {  	_ = 	snop  }
0x11e: {  	[tilespmem:s19], [sflag:$0x1] =	stream.indirect.gather [hbm4b:s4+s10], $0x1, s17, s10, $0xb8;
	[tilespmem:$0xC600] =	vst v63  }
0x11f: {  	_ = 	snop  }
0x120: {  	[tilespmem:s21], [sflag:$0x1] =	stream.indirect.gather [hbm4b:s0+s10], $0x1, s20, s10, $0xb8;
	[tilespmem:$0xC600] =	vst v63  }
0x121: {  	_ = 	snop  }
0x122: {  	[tilespmem:s22], [sflag:$0x1] =	stream.indirect.gather [hbm4b:s4+s10], $0x1, s20, s10, $0xb8;
	[tilespmem:$0xC600] =	vst v63  }
0x123: {  	_ =	swait.ge [sflag:s23], $0x80  }
0x124: {  	[sflag:s23] =	ssyncset.done $0x0  }
0x125: {  	[sflag:s23] =	ssyncadd.s32 $0xFFFFFF80  }
0x126: {  	_ =	swait.ge [sflag:s23], $0x80  }
0x127: {  	[sflag:s23] =	ssyncset.done $0x0  }
0x128: {  	[sflag:s23] =	ssyncadd.s32 $0xFFFFFF80  }
0x129: {  	_ =	swait.ge [sflag:s23], $0x80  }
0x12a: {  	[sflag:s23] =	ssyncset.done $0x0  }
0x12b: {  	[sflag:s23] =	ssyncadd.s32 $0xFFFFFF80  }
0x12c: {  	_ =	swait.ge [sflag:s23], $0x80  }
0x12d: {  	[sflag:s23] =	ssyncset.done $0x0  }
0x12e: {  	[sflag:s23] =	ssyncadd.s32 $0xFFFFFF80  }
0x12f: {  	_ =	swait.ge [sflag:s23], $0x80  }
0x130: {  	[sflag:s23] =	ssyncset.done $0x0  }
0x131: {  	[sflag:s23] =	ssyncadd.s32 $0xFFFFFF80  }
0x132: {  	_ =	swait.ge [sflag:s23], $0x80  }
0x133: {  	[sflag:s23] =	ssyncset.done $0x0  }
0x134: {  	[sflag:s23] =	ssyncadd.s32 $0xFFFFFF80  }
0x135: {  	_ =	swait.ge [sflag:s23], $0x80  }
0x136: {  	v1 =	vlaneseq.u32;
	[sflag:s23] =	ssyncset.done $0x0  }
0x137: {  	[sflag:s23] =	ssyncadd.s32 $0xFFFFFF80  }
0x138: {  	_ =	swait.ge [sflag:s23], $0x80  }
0x139: {  	[sflag:s23] =	ssyncset.done $0x0  }
0x13a: {  	[sflag:s23] =	ssyncadd.s32 $0xFFFFFF80  }
0x13b: {  	v0 =	vld.idx.msk [tilespmem:v1+s12+$0x0], $0xffff  }
0x13c: {  	v1 =	vld.idx.msk [tilespmem:v1+s13+$0x0], $0xffff;
	_ =	sdelay $0x3  }
0x13d: {  	[tilespmem:v2+s24+$0x0] =	vst.idx.msk $0xffff, v0  }
0x13e: {  	[tilespmem:v2+s25+$0x0] =	vst.idx.msk $0xffff, v1;
	v1 =	vld [tilespmem:$0x1FFF0];
	_ =	sdelay $0x7  }
0x13f: {  	v0 =	vld.idx.msk [tilespmem:v1+s12+$0x0], $0xffff  }
0x140: {  	v1 =	vld.idx.msk [tilespmem:v1+s13+$0x0], $0xffff;
	_ =	sdelay $0x3  }
0x141: {  	[tilespmem:v3+s24+$0x0] =	vst.idx.msk $0xffff, v0  }
0x142: {  	[tilespmem:v3+s25+$0x0] =	vst.idx.msk $0xffff, v1  }
0x143: {  	v0 =	vld.idx.msk [tilespmem:v34+s12+$0x0], $0xffff  }
0x144: {  	v1 =	vld.idx.msk [tilespmem:v34+s13+$0x0], $0xffff;
	_ =	sdelay $0x3  }
0x145: {  	[tilespmem:v4+s24+$0x0] =	vst.idx.msk $0xffff, v0  }
0x146: {  	[tilespmem:v4+s25+$0x0] =	vst.idx.msk $0xffff, v1  }
0x147: {  	v0 =	vld.idx.msk [tilespmem:v35+s12+$0x0], $0xffff  }
0x148: {  	v1 =	vld.idx.msk [tilespmem:v35+s13+$0x0], $0xffff;
	_ =	sdelay $0x3  }
0x149: {  	[tilespmem:v5+s24+$0x0] =	vst.idx.msk $0xffff, v0  }
0x14a: {  	[tilespmem:v5+s25+$0x0] =	vst.idx.msk $0xffff, v1  }
0x14b: {  	v0 =	vld.idx.msk [tilespmem:v36+s12+$0x0], $0xffff  }
0x14c: {  	v1 =	vld.idx.msk [tilespmem:v36+s13+$0x0], $0xffff;
	_ =	sdelay $0x3  }
0x14d: {  	[tilespmem:v6+s24+$0x0] =	vst.idx.msk $0xffff, v0  }
0x14e: {  	[tilespmem:v6+s25+$0x0] =	vst.idx.msk $0xffff, v1  }
0x14f: {  	v0 =	vld.idx.msk [tilespmem:v37+s12+$0x0], $0xffff  }
0x150: {  	v1 =	vld.idx.msk [tilespmem:v37+s13+$0x0], $0xffff;
	_ =	sdelay $0x3  }
0x151: {  	[tilespmem:v7+s24+$0x0] =	vst.idx.msk $0xffff, v0  }
0x152: {  	[tilespmem:v7+s25+$0x0] =	vst.idx.msk $0xffff, v1  }
0x153: {  	v0 =	vld.idx.msk [tilespmem:v38+s12+$0x0], $0xffff  }
0x154: {  	v1 =	vld.idx.msk [tilespmem:v38+s13+$0x0], $0xffff;
	_ =	sdelay $0x3  }
0x155: {  	[tilespmem:v8+s24+$0x0] =	vst.idx.msk $0xffff, v0  }
0x156: {  	[tilespmem:v8+s25+$0x0] =	vst.idx.msk $0xffff, v1  }
0x157: {  	v0 =	vld.idx.msk [tilespmem:v39+s12+$0x0], $0xffff  }
0x158: {  	v1 =	vld.idx.msk [tilespmem:v39+s13+$0x0], $0xffff;
	_ =	sdelay $0x3  }
0x159: {  	[tilespmem:v9+s24+$0x0] =	vst.idx.msk $0xffff, v0  }
0x15a: {  	[tilespmem:v9+s25+$0x0] =	vst.idx.msk $0xffff, v1  }
0x15b: {  	v0 =	vld.idx.msk [tilespmem:v40+s12+$0x0], $0xffff  }
0x15c: {  	v1 =	vld.idx.msk [tilespmem:v40+s13+$0x0], $0xffff;
	_ =	sdelay $0x3  }
0x15d: {  	[tilespmem:v10+s24+$0x0] =	vst.idx.msk $0xffff, v0  }
0x15e: {  	[tilespmem:v10+s25+$0x0] =	vst.idx.msk $0xffff, v1  }
0x15f: {  	v0 =	vld.idx.msk [tilespmem:v41+s12+$0x0], $0xffff  }
0x160: {  	v1 =	vld.idx.msk [tilespmem:v41+s13+$0x0], $0xffff;
	_ =	sdelay $0x3  }
0x161: {  	[tilespmem:v30+s24+$0x0] =	vst.idx.msk $0xffff, v0  }
0x162: {  	[tilespmem:v30+s25+$0x0] =	vst.idx.msk $0xffff, v1  }
0x163: {  	v0 =	vld.idx.msk [tilespmem:v42+s12+$0x0], $0xffff  }
0x164: {  	v1 =	vld.idx.msk [tilespmem:v42+s13+$0x0], $0xffff;
	_ =	sdelay $0x3  }
0x165: {  	[tilespmem:v11+s24+$0x0] =	vst.idx.msk $0xffff, v0  }
0x166: {  	[tilespmem:v11+s25+$0x0] =	vst.idx.msk $0xffff, v1  }
0x167: {  	v0 =	vld.idx.msk [tilespmem:v43+s12+$0x0], $0xffff  }
0x168: {  	v1 =	vld.idx.msk [tilespmem:v43+s13+$0x0], $0xffff;
	_ =	sdelay $0x3  }
0x169: {  	[tilespmem:v12+s24+$0x0] =	vst.idx.msk $0xffff, v0  }
0x16a: {  	[tilespmem:v12+s25+$0x0] =	vst.idx.msk $0xffff, v1  }
0x16b: {  	v0 =	vld.idx.msk [tilespmem:v44+s12+$0x0], $0xffff  }
0x16c: {  	v1 =	vld.idx.msk [tilespmem:v44+s13+$0x0], $0xffff;
	_ =	sdelay $0x3  }
0x16d: {  	[tilespmem:v13+s24+$0x0] =	vst.idx.msk $0xffff, v0  }
0x16e: {  	[tilespmem:v13+s25+$0x0] =	vst.idx.msk $0xffff, v1  }
0x16f: {  	v0 =	vld.idx.msk [tilespmem:v45+s12+$0x0], $0xffff  }
0x170: {  	v1 =	vld.idx.msk [tilespmem:v45+s13+$0x0], $0xffff;
	_ =	sdelay $0x3  }
0x171: {  	[tilespmem:v14+s24+$0x0] =	vst.idx.msk $0xffff, v0  }
0x172: {  	[tilespmem:v14+s25+$0x0] =	vst.idx.msk $0xffff, v1  }
0x173: {  	v0 =	vld.idx.msk [tilespmem:v46+s12+$0x0], $0xffff  }
0x174: {  	v1 =	vld.idx.msk [tilespmem:v46+s13+$0x0], $0xffff;
	_ =	sdelay $0x3  }
0x175: {  	[tilespmem:v15+s24+$0x0] =	vst.idx.msk $0xffff, v0  }
0x176: {  	[tilespmem:v15+s25+$0x0] =	vst.idx.msk $0xffff, v1  }
0x177: {  	v0 =	vld.idx.msk [tilespmem:v47+s12+$0x0], $0xffff  }
0x178: {  	v1 =	vld.idx.msk [tilespmem:v47+s13+$0x0], $0xffff;
	_ =	sdelay $0x3  }
0x179: {  	[tilespmem:v16+s24+$0x0] =	vst.idx.msk $0xffff, v0  }
0x17a: {  	[tilespmem:v16+s25+$0x0] =	vst.idx.msk $0xffff, v1  }
0x17b: {  	v0 =	vld.idx.msk [tilespmem:v48+s12+$0x0], $0xffff  }
0x17c: {  	v1 =	vld.idx.msk [tilespmem:v48+s13+$0x0], $0xffff;
	_ =	sdelay $0x3  }
0x17d: {  	[tilespmem:v17+s24+$0x0] =	vst.idx.msk $0xffff, v0  }
0x17e: {  	[tilespmem:v17+s25+$0x0] =	vst.idx.msk $0xffff, v1  }
0x17f: {  	v0 =	vld.idx.msk [tilespmem:v49+s12+$0x0], $0xffff  }
0x180: {  	v1 =	vld.idx.msk [tilespmem:v49+s13+$0x0], $0xffff;
	_ =	sdelay $0x3  }
0x181: {  	[tilespmem:v18+s24+$0x0] =	vst.idx.msk $0xffff, v0  }
0x182: {  	[tilespmem:v18+s25+$0x0] =	vst.idx.msk $0xffff, v1  }
0x183: {  	v0 =	vld.idx.msk [tilespmem:v50+s12+$0x0], $0xffff  }
0x184: {  	v1 =	vld.idx.msk [tilespmem:v50+s13+$0x0], $0xffff;
	_ =	sdelay $0x3  }
0x185: {  	[tilespmem:v19+s24+$0x0] =	vst.idx.msk $0xffff, v0  }
0x186: {  	[tilespmem:v19+s25+$0x0] =	vst.idx.msk $0xffff, v1  }
0x187: {  	v0 =	vld.idx.msk [tilespmem:v51+s12+$0x0], $0xffff  }
0x188: {  	v1 =	vld.idx.msk [tilespmem:v51+s13+$0x0], $0xffff;
	_ =	sdelay $0x3  }
0x189: {  	[tilespmem:v20+s24+$0x0] =	vst.idx.msk $0xffff, v0  }
0x18a: {  	[tilespmem:v20+s25+$0x0] =	vst.idx.msk $0xffff, v1  }
0x18b: {  	v0 =	vld.idx.msk [tilespmem:v52+s12+$0x0], $0xffff  }
0x18c: {  	v1 =	vld.idx.msk [tilespmem:v52+s13+$0x0], $0xffff;
	_ =	sdelay $0x3  }
0x18d: {  	[tilespmem:v33+s24+$0x0] =	vst.idx.msk $0xffff, v0  }
0x18e: {  	[tilespmem:v33+s25+$0x0] =	vst.idx.msk $0xffff, v1  }
0x18f: {  	v0 =	vld.idx.msk [tilespmem:v53+s12+$0x0], $0xffff  }
0x190: {  	v1 =	vld.idx.msk [tilespmem:v53+s13+$0x0], $0xffff;
	_ =	sdelay $0x3  }
0x191: {  	[tilespmem:v21+s24+$0x0] =	vst.idx.msk $0xffff, v0  }
0x192: {  	[tilespmem:v21+s25+$0x0] =	vst.idx.msk $0xffff, v1  }
0x193: {  	v0 =	vld.idx.msk [tilespmem:v54+s12+$0x0], $0xffff  }
0x194: {  	v1 =	vld.idx.msk [tilespmem:v54+s13+$0x0], $0xffff;
	_ =	sdelay $0x3  }
0x195: {  	[tilespmem:v22+s24+$0x0] =	vst.idx.msk $0xffff, v0  }
0x196: {  	[tilespmem:v22+s25+$0x0] =	vst.idx.msk $0xffff, v1  }
0x197: {  	v0 =	vld.idx.msk [tilespmem:v55+s12+$0x0], $0xffff  }
0x198: {  	v1 =	vld.idx.msk [tilespmem:v55+s13+$0x0], $0xffff;
	_ =	sdelay $0x3  }
0x199: {  	[tilespmem:v23+s24+$0x0] =	vst.idx.msk $0xffff, v0  }
0x19a: {  	[tilespmem:v23+s25+$0x0] =	vst.idx.msk $0xffff, v1  }
0x19b: {  	v0 =	vld.idx.msk [tilespmem:v56+s12+$0x0], $0xffff  }
0x19c: {  	v1 =	vld.idx.msk [tilespmem:v56+s13+$0x0], $0xffff;
	_ =	sdelay $0x3  }
0x19d: {  	[tilespmem:v24+s24+$0x0] =	vst.idx.msk $0xffff, v0  }
0x19e: {  	[tilespmem:v24+s25+$0x0] =	vst.idx.msk $0xffff, v1  }
0x19f: {  	v0 =	vld.idx.msk [tilespmem:v57+s12+$0x0], $0xffff  }
0x1a0: {  	v1 =	vld.idx.msk [tilespmem:v57+s13+$0x0], $0xffff;
	_ =	sdelay $0x3  }
0x1a1: {  	[tilespmem:v25+s24+$0x0] =	vst.idx.msk $0xffff, v0  }
0x1a2: {  	[tilespmem:v25+s25+$0x0] =	vst.idx.msk $0xffff, v1  }
0x1a3: {  	v0 =	vld.idx.msk [tilespmem:v58+s12+$0x0], $0xffff  }
0x1a4: {  	v1 =	vld.idx.msk [tilespmem:v58+s13+$0x0], $0xffff;
	_ =	sdelay $0x3  }
0x1a5: {  	[tilespmem:v26+s24+$0x0] =	vst.idx.msk $0xffff, v0  }
0x1a6: {  	[tilespmem:v26+s25+$0x0] =	vst.idx.msk $0xffff, v1  }
0x1a7: {  	v0 =	vld.idx.msk [tilespmem:v59+s12+$0x0], $0xffff  }
0x1a8: {  	v1 =	vld.idx.msk [tilespmem:v59+s13+$0x0], $0xffff;
	_ =	sdelay $0x3  }
0x1a9: {  	[tilespmem:v27+s24+$0x0] =	vst.idx.msk $0xffff, v0  }
0x1aa: {  	[tilespmem:v27+s25+$0x0] =	vst.idx.msk $0xffff, v1  }
0x1ab: {  	v0 =	vld.idx.msk [tilespmem:v60+s12+$0x0], $0xffff  }
0x1ac: {  	v1 =	vld.idx.msk [tilespmem:v60+s13+$0x0], $0xffff;
	_ =	sdelay $0x3  }
0x1ad: {  	[tilespmem:v28+s24+$0x0] =	vst.idx.msk $0xffff, v0  }
0x1ae: {  	[tilespmem:v28+s25+$0x0] =	vst.idx.msk $0xffff, v1  }
0x1af: {  	v0 =	vld.idx.msk [tilespmem:v61+s12+$0x0], $0xffff  }
0x1b0: {  	v1 =	vld.idx.msk [tilespmem:v61+s13+$0x0], $0xffff;
	_ =	sdelay $0x3  }
0x1b1: {  	[tilespmem:v29+s24+$0x0] =	vst.idx.msk $0xffff, v0  }
0x1b2: {  	[tilespmem:v29+s25+$0x0] =	vst.idx.msk $0xffff, v1  }
0x1b3: {  	v0 =	vld.idx.msk [tilespmem:v62+s12+$0x0], $0xffff  }
0x1b4: {  	v1 =	vld.idx.msk [tilespmem:v62+s13+$0x0], $0xffff;
	_ =	sdelay $0x3  }
0x1b5: {  	[tilespmem:v31+s24+$0x0] =	vst.idx.msk $0xffff, v0  }
0x1b6: {  	[tilespmem:v31+s25+$0x0] =	vst.idx.msk $0xffff, v1  }
0x1b7: {  	v0 =	vld.idx.msk [tilespmem:v63+s12+$0x0], $0xffff  }
0x1b8: {  	v1 =	vld.idx.msk [tilespmem:v63+s13+$0x0], $0xffff;
	_ =	sdelay $0x3  }
0x1b9: {  	[tilespmem:v32+s24+$0x0] =	vst.idx.msk $0xffff, v0  }
0x1ba: {  	[tilespmem:v32+s25+$0x0] =	vst.idx.msk $0xffff, v1  }
0x1bb: {  	[hbm4b:s6+s2] =	stream.linear.scatter [tilespmem:s24], [sflag:$0x2], $0x4000, $0x38;
	[tilespmem:$0xC600] =	vst v63  }
0x1bc: {  	_ =	swait.ge [sflag:s9], $0x4000  }
0x1bd: {  	p0 =	sne.s32 s8, $0x1;
	[sflag:s9] =	ssyncset.done $0x0  }
.Ltmp0:
0x1be: {  	[sflag:s9] =	ssyncadd.s32 $0xFFFFC000;
	(pc) =	sbr.rel @p0 .LBB2_1-.Ltmp0, $4  }
0x1bf: {  	[hbm4b:s7+s2] =	stream.linear.scatter [tilespmem:s25], [sflag:$0x2], $0x4000, $0x38;
	[tilespmem:$0xC600] =	vst v63  }
0x1c0: {  	_ =	swait.ge [sflag:s9], $0x4000  }
0x1c1: {  	[sflag:s9] =	ssyncset.done $0x0  }
0x1c2: {  	s8 =	sadd.s32 $0xFFFFFFFF, s8;
	[sflag:s9] =	ssyncadd.s32 $0xFFFFC000  }
0x1c3: {  	_ =	sfence.sel $0x180000  }
0x1c4: {  	[bflag:$0x0] =	sbarrier.arrive $0xFFFF  }
0x1c5: {  	p0 =	sne.s32 s3, $0x0;
	_ =	strace $0x90000047  }
0x1c6: {  	s0 =	sadd.s32 @!p0 $0x100000, s1;
	[bflag:$0x2] =	sbarrier.arrive $0xFFFF  }
0x1c7: {  	[sflag:s0] =	ssyncadd.tile.s32 @!p0 $0x1;
	_ =	shalt  }
.Lfunc_end2:
_tile_overlayer_lowered:
.L_overlay_start_2:
0x1c8: {  	(tag) =	ssettag $0x2  }
0x1c9: {  	s0 =	rddreg [dreg:$0x0];
	s2 =	stileid.u32  }
0x1ca: {  	s1 =	rddreg [dreg:$0x1];
	p0 =	sne.s32 s2, $0x0  }
0x1cb: {  	s3 =	rddreg [dreg:$0x2];
	[bflag:$0x3] =	sbarrier.arrive $0xFFFF;
	s2 =	simm.s32 @!p0 $0x1C02  }
0x1cc: {  	[timem:s3], [sflag:s2] =	dma.local @!p0 [hbm:s0], s1  }
0x1cd: {  	s0 =	simm.s32 @!p0 $0x2  }
0x1ce: {  	_ =	swait.ge @!p0 [sflag:s0], s1  }
0x1cf: {  	s1 =	ssub.s32 @!p0 $0x0, s1;
	[sflag:s0] =	ssyncset.done @!p0 $0x0  }
0x1d0: {  	[sflag:s0] =	ssyncadd.s32 @!p0 s1  }
0x1d1: {  	[bflag:$0x3] =	sbarrier.arrive $0xFFFF  }
0x1d2: {  	_ =	shalt  }

</sc_bundles>
